<compile_context>
chip_gen: v7x
topology: tpu7x:2x2x1
jax: 0.10.2.dev20260603
libtpu: 0.0.44.dev20260713+nightly
codegen_flags: <defaults>
</compile_context>

<pallas_src>
import functools

import jax
import jax.numpy as jnp
from jax import lax
from jax.experimental import pallas as pl
from jax.experimental.pallas import tpu as pltpu
from jax.experimental.pallas import tpu_sc as plsc

N = 10000
E = 320000
D = 128

NC = 2
NS = 16
NW = NC * NS
EPW = E // NW
CH = 80
NCHUNK = 125
EPT = NCHUNK * CH
EPAD = NW * EPT - E
NP = 10240
RPT = NP // NS

_PREC = jax.lax.Precision.DEFAULT


def _deg_body(dst_hbm, out_hbm, dst_v, deg_v, acc_v, tmp_v, deg_sh):
    cid = lax.axis_index("c")
    sid = lax.axis_index("s")
    wid = sid * NC + cid
    zeros16 = jnp.zeros((16,), jnp.float32)
    ones16 = jnp.ones((16,), jnp.float32)

    def zbody(i, c):
        deg_v[pl.ds(pl.multiple_of(i * 16, 16), 16)] = zeros16
        return c
    lax.fori_loop(0, NP // 16, zbody, 0)

    pltpu.sync_copy(dst_hbm.at[pl.ds(wid * EPW, EPW)], dst_v)

    def ebody(i, c):
        iv = dst_v[pl.ds(pl.multiple_of(i * 16, 16), 16)]
        plsc.addupdate_scatter(deg_v, [iv], ones16)
        return c
    lax.fori_loop(0, EPW // 16, ebody, 0)

    pltpu.sync_copy(deg_v, deg_sh.at[sid])
    plsc.subcore_barrier()

    pltpu.sync_copy(deg_sh.at[0, pl.ds(sid * RPT, RPT)], acc_v)

    def mbody(j, c):
        pltpu.sync_copy(deg_sh.at[j, pl.ds(sid * RPT, RPT)], tmp_v)

        def abody(i, c2):
            sl = pl.ds(pl.multiple_of(i * 16, 16), 16)
            acc_v[sl] = acc_v[sl] + tmp_v[sl]
            return c2
        lax.fori_loop(0, RPT // 16, abody, 0)
        return c
    lax.fori_loop(1, NS, mbody, 0)
    pltpu.sync_copy(acc_v, out_hbm.at[pl.ds(cid * NP + sid * RPT, RPT)])


def _agg_body(xws_hbm, srcf_hbm, dstf_hbm, zeros_hbm, out_hbm,
              src_v, dst_v, rows_v, acc_sh, sem):
    cid = lax.axis_index("c")
    sid = lax.axis_index("s")
    wid = sid * NC + cid
    pltpu.sync_copy(zeros_hbm.at[pl.ds(sid * RPT, RPT)],
                    acc_sh.at[pl.ds(sid * RPT, RPT)])
    plsc.subcore_barrier()
    base = wid * EPT

    def body(c, carry):
        off = pl.multiple_of(base + c * CH, 8)
        pltpu.sync_copy(srcf_hbm.at[pl.ds(off, CH)], src_v)
        pltpu.sync_copy(dstf_hbm.at[pl.ds(off, CH)], dst_v)
        pltpu.async_copy(xws_hbm.at[src_v], rows_v, sem).wait()
        pltpu.sync_copy(rows_v, acc_sh.at[dst_v], add=True)
        return carry

    lax.fori_loop(0, NCHUNK, body, 0)
    plsc.subcore_barrier()
    pltpu.sync_copy(acc_sh.at[pl.ds(sid * RPT, RPT)],
                    out_hbm.at[pl.ds(cid * NP + sid * RPT, RPT)])


def _prescale_body(nf_ref, wg_ref, wih_ref, whh_ref, bih_ref, bhh_ref,
                   degp_ref, xws_ref):
    W = wg_ref[...]
    gi = lax.dot_general(W, wih_ref[...], (((1,), (1,)), ((), ())),
                         precision=_PREC) + bih_ref[...]
    gh = lax.dot_general(W, whh_ref[...], (((1,), (1,)), ((), ())),
                         precision=_PREC) + bhh_ref[...]
    r = jax.nn.sigmoid(gi[:, :D] + gh[:, :D])
    z = jax.nn.sigmoid(gi[:, D:2 * D] + gh[:, D:2 * D])
    n = jnp.tanh(gi[:, 2 * D:] + r * gh[:, 2 * D:])
    w_ev = (1.0 - z) * n + z * W
    xw = jnp.dot(nf_ref[...], w_ev, precision=_PREC)
    deg = degp_ref[0, :N] + degp_ref[1, :N] + 1.0
    xws_ref[:N] = xw * lax.rsqrt(deg)
    xws_ref[N:] = jnp.zeros((NP - N, D), jnp.float32)


_prescale_call = pl.pallas_call(
    _prescale_body,
    out_shape=jax.ShapeDtypeStruct((NP, D), jnp.float32),
    compiler_params=pltpu.CompilerParams(skip_device_barrier=True),
)


def _out_body(acc_ref, xws_ref, degp_ref, wlin_ref, blin_ref, out_ref):
    deg = degp_ref[0, :N] + degp_ref[1, :N] + 1.0
    h = (acc_ref[0, :N] + acc_ref[1, :N] + xws_ref[:N]) * lax.rsqrt(deg)
    zr = jnp.maximum(h, 0.0)
    out_ref[...] = lax.dot_general(zr, wlin_ref[...], (((1,), (1,)), ((), ())),
                                   precision=_PREC) + blin_ref[...]


_out_call = pl.pallas_call(
    _out_body,
    out_shape=jax.ShapeDtypeStruct((N, D), jnp.float32),
    compiler_params=pltpu.CompilerParams(skip_device_barrier=True),
)


@functools.lru_cache(maxsize=1)
def _sc_kernels():
    mesh = plsc.VectorSubcoreMesh(core_axis_name="c", subcore_axis_name="s")
    deg_kernel = pl.kernel(
        _deg_body,
        out_type=jax.ShapeDtypeStruct((NC * NP,), jnp.float32),
        mesh=mesh,
        compiler_params=pltpu.CompilerParams(needs_layout_passes=False, skip_device_barrier=True),
        scratch_types=[
            pltpu.VMEM((EPW,), jnp.int32),
            pltpu.VMEM((NP,), jnp.float32),
            pltpu.VMEM((RPT,), jnp.float32),
            pltpu.VMEM((RPT,), jnp.float32),
            pltpu.VMEM_SHARED((NS, NP), jnp.float32),
        ],
    )
    agg_kernel = pl.kernel(
        _agg_body,
        out_type=jax.ShapeDtypeStruct((NC * NP, D), jnp.float32),
        mesh=mesh,
        compiler_params=pltpu.CompilerParams(skip_device_barrier=True),
        scratch_types=[
            pltpu.VMEM((CH,), jnp.int32),
            pltpu.VMEM((CH,), jnp.int32),
            pltpu.VMEM((CH, D), jnp.float32),
            pltpu.VMEM_SHARED((NP, D), jnp.float32),
            pltpu.SemaphoreType.DMA,
        ],
    )
    return deg_kernel, agg_kernel


def kernel(node_feat, src, dst, W_gcn, W_ih, W_hh, b_ih, b_hh, W_lin, b_lin):
    src = src.astype(jnp.int32)
    dst = dst.astype(jnp.int32)
    zeros_acc = jnp.zeros((NP, D), jnp.float32)

    srcf = jnp.pad(src, (0, EPAD), constant_values=NP - 1)
    dstf = jnp.pad(dst, (0, EPAD), constant_values=NP - 1)

    _deg_kernel, _agg_kernel = _sc_kernels()
    degp = _deg_kernel(dst).reshape(NC, NP, 1)
    xws = _prescale_call(node_feat.astype(jnp.float32), W_gcn, W_ih, W_hh,
                         b_ih.reshape(1, 3 * D), b_hh.reshape(1, 3 * D), degp)
    acc = _agg_kernel(xws, srcf, dstf, zeros_acc).reshape(NC, NP, D)
    return _out_call(acc, xws, degp, W_lin, b_lin.reshape(1, D))

# --- scband reference (transcript-rebuilt; emitter-appended) ---
"""Pipeline reference for scband-recurrent-gcn-33139967656316 (READ-ONLY COPY).

The authoritative reference and input builder live on the scoring server;
editing this copy changes nothing except your own understanding.
"""

import jax, jax.numpy as jnp
import numpy as np

N = 10000
E = 320000
D = 128
H = 128


def gru_cell(x, h, W_ih, W_hh, b_ih, b_hh):
    # PyTorch GRU cell semantics (gate order: r, z, n)
    gi = x @ W_ih.T + b_ih
    gh = h @ W_hh.T + b_hh
    i_r, i_z, i_n = jnp.split(gi, 3, axis=-1)
    h_r, h_z, h_n = jnp.split(gh, 3, axis=-1)
    r = jax.nn.sigmoid(i_r + h_r)
    z = jax.nn.sigmoid(i_z + h_z)
    n = jnp.tanh(i_n + r * h_n)
    return (1.0 - z) * n + z * h


def gcn_conv_fixed_w(X, W, src, dst):
    # GCNConv with fixed (GRU-evolved) weight, add_self_loops=True, improved=False,
    # normalize=True, edge_weight = ones
    XW = X @ W
    loop = jnp.arange(N, dtype=src.dtype)
    src_full = jnp.concatenate([src, loop])
    dst_full = jnp.concatenate([dst, loop])
    ew = jnp.ones(src_full.shape[0], dtype=X.dtype)
    deg = jax.ops.segment_sum(ew, dst_full, num_segments=N)
    dinv = jnp.where(deg > 0, deg ** -0.5, 0.0)
    norm = dinv[src_full] * ew * dinv[dst_full]
    msg = XW[src_full] * norm[:, None]
    return jax.ops.segment_sum(msg, dst_full, num_segments=N)


def setup_inputs(seed: int = 0):
    key = jax.random.key(seed)
    ks = jax.random.split(key, 12)
    node_feat = jax.random.normal(ks[0], (N, D), dtype=jnp.float32)
    src = jax.random.randint(ks[1], (E,), 0, N, dtype=jnp.int32)
    dst = jax.random.randint(ks[2], (E,), 0, N, dtype=jnp.int32)
    # GCN weight (evolved by GRU each step)
    W_gcn = jax.random.normal(ks[3], (D, D), dtype=jnp.float32) * 0.05
    # GRU parameters (input_size=D, hidden_size=D)
    W_ih = jax.random.normal(ks[4], (3 * D, D), dtype=jnp.float32) * 0.05
    W_hh = jax.random.normal(ks[5], (3 * D, D), dtype=jnp.float32) * 0.05
    b_ih = jax.random.normal(ks[6], (3 * D,), dtype=jnp.float32) * 0.05
    b_hh = jax.random.normal(ks[7], (3 * D,), dtype=jnp.float32) * 0.05
    # Output linear layer
    W_lin = jax.random.normal(ks[8], (H, D), dtype=jnp.float32) * 0.05
    b_lin = jax.random.normal(ks[9], (H,), dtype=jnp.float32) * 0.05
    return {"node_feat": node_feat, "src": src, "dst": dst, "W_gcn": W_gcn,
            "W_ih": W_ih, "W_hh": W_hh, "b_ih": b_ih, "b_hh": b_hh,
            "W_lin": W_lin, "b_lin": b_lin}


def reference(node_feat, src, dst, W_gcn, W_ih, W_hh, b_ih, b_hh, W_lin, b_lin):
    # EvolveGCNO: evolve the GCN weight via a GRU (input = W, hidden = W)
    W_evolved = gru_cell(W_gcn, W_gcn, W_ih, W_hh, b_ih, b_hh)
    h = gcn_conv_fixed_w(node_feat.astype(jnp.float32), W_evolved, src, dst)
    z = jax.nn.relu(h)
    z = z @ W_lin.T + b_lin
    return z

if __name__ == "__main__":
    import jax
    _d = setup_inputs()
    print(jax.jit(kernel)(*tuple(_d.values())))

</pallas_src>

<mosaic_0001>
#map = affine_map<(d0, d1) -> (0, 0)>
#map1 = affine_map<(d0, d1) -> (0)>
module attributes {stable_mosaic.version = 14 : i64} {
  func.func @_agg_body(%arg0: i32, %arg1: i32, %arg2: memref<10240x128xf32, #tpu.memory_space<hbm>>, %arg3: memref<320000xi32, #tpu.memory_space<hbm>>, %arg4: memref<320000xi32, #tpu.memory_space<hbm>>, %arg5: memref<10240x128xf32, #tpu.memory_space<hbm>>, %arg6: memref<20480x128xf32, #tpu.memory_space<hbm>>, %arg7: memref<80xi32, #tpu.memory_space<vmem>>, %arg8: memref<80xi32, #tpu.memory_space<vmem>>, %arg9: memref<80x128xf32, #tpu.memory_space<vmem>>, %arg10: memref<10240x128xf32, #tpu.memory_space<vmem_shared>>, %arg11: memref<!tpu.dma_semaphore, #tpu.memory_space<semaphore_mem>>) attributes {dimension_semantics = [#tpu.dimension_semantics<core_parallel>, #tpu.dimension_semantics<subcore_parallel>], iteration_bounds = array<i64: 2, 16>, scalar_prefetch = 0 : i64, scratch_operands = 5 : i64, tpu.core_type = #tpu.core_type<sc_vector_subcore>, window_params = [{transform_indices = #map}, {transform_indices = #map1}, {transform_indices = #map1}, {transform_indices = #map}, {transform_indices = #map}]} {
    %mul3A = arith.constant 2 : i32
    %mul3A_0 = arith.muli %arg1, %mul3A : i32
    %add3A = arith.addi %mul3A_0, %arg0 : i32
    %mul3A_1 = arith.constant 640 : i32
    %mul3A_2 = arith.muli %arg1, %mul3A_1 : i32
    %mul3A_3 = arith.constant 640 : i32
    %mul3A_4 = arith.muli %arg1, %mul3A_3 : i32
    "tpu.region"() ({
      %run_scoped3A = tpu.sem_alloc : memref<!tpu.dma_semaphore, #tpu.memory_space<semaphore_mem>>
      %dma_start3A = arith.constant 0 : i32
      %dma_start3A_20 = tpu.memref_slice %arg10[%mul3A_4, %dma_start3A] : memref<10240x128xf32, #tpu.memory_space<vmem_shared>> -> memref<640x128xf32, #tpu.memory_space<vmem_shared>>
      %dma_start3A_21 = arith.constant 0 : i32
      %dma_start3A_22 = tpu.memref_slice %arg5[%mul3A_2, %dma_start3A_21] : memref<10240x128xf32, #tpu.memory_space<hbm>> -> memref<640x128xf32, #tpu.memory_space<hbm>>
      tpu.enqueue_dma source(%dma_start3A_22 : memref<640x128xf32, #tpu.memory_space<hbm>>) target(%dma_start3A_20 : memref<640x128xf32, #tpu.memory_space<vmem_shared>>) target_semaphore(%run_scoped3A : memref<!tpu.dma_semaphore, #tpu.memory_space<semaphore_mem>>)
      %dma_wait3A = arith.constant 0 : i32
      %dma_wait3A_23 = tpu.memref_slice %arg10[%mul3A_4, %dma_wait3A] : memref<10240x128xf32, #tpu.memory_space<vmem_shared>> -> memref<640x128xf32, #tpu.memory_space<vmem_shared>>
      %dma_wait3A_24 = arith.constant 0 : i32
      %dma_wait3A_25 = tpu.memref_slice %arg5[%mul3A_2, %dma_wait3A_24] : memref<10240x128xf32, #tpu.memory_space<hbm>> -> memref<640x128xf32, #tpu.memory_space<hbm>>
      tpu.wait_dma2 semaphore(%run_scoped3A : memref<!tpu.dma_semaphore, #tpu.memory_space<semaphore_mem>>) src(%dma_wait3A_25 : memref<640x128xf32, #tpu.memory_space<hbm>>) dst(%dma_wait3A_23 : memref<640x128xf32, #tpu.memory_space<vmem_shared>>)
      tpu.yield
    }) : () -> ()
    %barrier3A = arith.constant 0 : index
    tpu.barrier barrier_id(%barrier3A)
    %mul3A_5 = arith.constant 10000 : i32
    %mul3A_6 = arith.muli %add3A, %mul3A_5 : i32
    %scan3A = arith.constant 0 : i32
    %scan3A_7 = arith.constant 0 : i32
    %scan3A_8 = arith.constant 125 : i32
    %scan3A_9 = arith.addi %scan3A_7, %scan3A_8 : i32
    %scan3A_10 = arith.constant 1 : i32
    scf.for %scan3A_20 = %scan3A_7 to %scan3A_9 step %scan3A_10  : i32 {
      %mul3A_21 = arith.constant 80 : i32
      %mul3A_22 = arith.muli %scan3A_20, %mul3A_21 : i32
      %add3A_23 = arith.addi %mul3A_6, %mul3A_22 : i32
      %multiple_of3A = tpu.assume_multiple %add3A_23, 8 : i32
      "tpu.region"() ({
        %run_scoped3A = tpu.sem_alloc : memref<!tpu.dma_semaphore, #tpu.memory_space<semaphore_mem>>
        %dma_start3A_28 = tpu.memref_slice %arg3[%multiple_of3A] : memref<320000xi32, #tpu.memory_space<hbm>> -> memref<80xi32, #tpu.memory_space<hbm>>
        %dma_start3A_29 = tpu.memref_slice %arg3[%multiple_of3A] : memref<320000xi32, #tpu.memory_space<hbm>> -> memref<80xi32, #tpu.memory_space<hbm>>
        tpu.enqueue_dma source(%dma_start3A_29 : memref<80xi32, #tpu.memory_space<hbm>>) target(%arg7 : memref<80xi32, #tpu.memory_space<vmem>>) target_semaphore(%run_scoped3A : memref<!tpu.dma_semaphore, #tpu.memory_space<semaphore_mem>>)
        %dma_wait3A_30 = tpu.memref_slice %arg3[%multiple_of3A] : memref<320000xi32, #tpu.memory_space<hbm>> -> memref<80xi32, #tpu.memory_space<hbm>>
        %dma_wait3A_31 = tpu.memref_slice %arg3[%multiple_of3A] : memref<320000xi32, #tpu.memory_space<hbm>> -> memref<80xi32, #tpu.memory_space<hbm>>
        tpu.wait_dma2 semaphore(%run_scoped3A : memref<!tpu.dma_semaphore, #tpu.memory_space<semaphore_mem>>) src(%dma_wait3A_31 : memref<80xi32, #tpu.memory_space<hbm>>) dst(%arg7 : memref<80xi32, #tpu.memory_space<vmem>>)
        tpu.yield
      }) : () -> ()
      "tpu.region"() ({
        %run_scoped3A = tpu.sem_alloc : memref<!tpu.dma_semaphore, #tpu.memory_space<semaphore_mem>>
        %dma_start3A_28 = tpu.memref_slice %arg4[%multiple_of3A] : memref<320000xi32, #tpu.memory_space<hbm>> -> memref<80xi32, #tpu.memory_space<hbm>>
        %dma_start3A_29 = tpu.memref_slice %arg4[%multiple_of3A] : memref<320000xi32, #tpu.memory_space<hbm>> -> memref<80xi32, #tpu.memory_space<hbm>>
        tpu.enqueue_dma source(%dma_start3A_29 : memref<80xi32, #tpu.memory_space<hbm>>) target(%arg8 : memref<80xi32, #tpu.memory_space<vmem>>) target_semaphore(%run_scoped3A : memref<!tpu.dma_semaphore, #tpu.memory_space<semaphore_mem>>)
        %dma_wait3A_30 = tpu.memref_slice %arg4[%multiple_of3A] : memref<320000xi32, #tpu.memory_space<hbm>> -> memref<80xi32, #tpu.memory_space<hbm>>
        %dma_wait3A_31 = tpu.memref_slice %arg4[%multiple_of3A] : memref<320000xi32, #tpu.memory_space<hbm>> -> memref<80xi32, #tpu.memory_space<hbm>>
        tpu.wait_dma2 semaphore(%run_scoped3A : memref<!tpu.dma_semaphore, #tpu.memory_space<semaphore_mem>>) src(%dma_wait3A_31 : memref<80xi32, #tpu.memory_space<hbm>>) dst(%arg8 : memref<80xi32, #tpu.memory_space<vmem>>)
        tpu.yield
      }) : () -> ()
      %dma_start3A = arith.constant 0 : i32
      %dma_start3A_24 = arith.constant 0 : i32
      %dma_start3A_25 = tpu.memref_slice %arg2[%dma_start3A, %dma_start3A_24] : memref<10240x128xf32, #tpu.memory_space<hbm>> -> memref<10240x128xf32, #tpu.memory_space<hbm>>
      tpu.enqueue_indirect_dma source(%dma_start3A_25 : memref<10240x128xf32, #tpu.memory_space<hbm>>) target(%arg9 : memref<80x128xf32, #tpu.memory_space<vmem>>) offsets(%arg7 : memref<80xi32, #tpu.memory_space<vmem>>) semaphore(%arg11 : memref<!tpu.dma_semaphore, #tpu.memory_space<semaphore_mem>>)
      %dma_wait3A = arith.constant 0 : i32
      %dma_wait3A_26 = arith.constant 0 : i32
      %dma_wait3A_27 = tpu.memref_slice %arg2[%dma_wait3A, %dma_wait3A_26] : memref<10240x128xf32, #tpu.memory_space<hbm>> -> memref<10240x128xf32, #tpu.memory_space<hbm>>
      tpu.wait_indirect_dma semaphore(%arg11 : memref<!tpu.dma_semaphore, #tpu.memory_space<semaphore_mem>>) src(%dma_wait3A_27 : memref<10240x128xf32, #tpu.memory_space<hbm>>) dst(%arg9 : memref<80x128xf32, #tpu.memory_space<vmem>>)
      "tpu.region"() ({
        %run_scoped3A = tpu.sem_alloc : memref<!tpu.dma_semaphore, #tpu.memory_space<semaphore_mem>>
        %dma_start3A_28 = arith.constant 0 : i32
        %dma_start3A_29 = arith.constant 0 : i32
        %dma_start3A_30 = tpu.memref_slice %arg10[%dma_start3A_28, %dma_start3A_29] : memref<10240x128xf32, #tpu.memory_space<vmem_shared>> -> memref<10240x128xf32, #tpu.memory_space<vmem_shared>>
        tpu.enqueue_indirect_dma source(%arg9 : memref<80x128xf32, #tpu.memory_space<vmem>>) target(%dma_start3A_30 : memref<10240x128xf32, #tpu.memory_space<vmem_shared>>) offsets(%arg8 : memref<80xi32, #tpu.memory_space<vmem>>) semaphore(%run_scoped3A : memref<!tpu.dma_semaphore, #tpu.memory_space<semaphore_mem>>) {add = true}
        %dma_wait3A_31 = arith.constant 0 : i32
        %dma_wait3A_32 = arith.constant 0 : i32
        %dma_wait3A_33 = tpu.memref_slice %arg10[%dma_wait3A_31, %dma_wait3A_32] : memref<10240x128xf32, #tpu.memory_space<vmem_shared>> -> memref<10240x128xf32, #tpu.memory_space<vmem_shared>>
        tpu.wait_indirect_dma semaphore(%run_scoped3A : memref<!tpu.dma_semaphore, #tpu.memory_space<semaphore_mem>>) src(%arg9 : memref<80x128xf32, #tpu.memory_space<vmem>>) dst(%dma_wait3A_33 : memref<10240x128xf32, #tpu.memory_space<vmem_shared>>)
        tpu.yield
      }) : () -> ()
    }
    %scan3A_11 = arith.constant 125 : i32
    %barrier3A_12 = arith.constant 0 : index
    tpu.barrier barrier_id(%barrier3A_12)
    %mul3A_13 = arith.constant 640 : i32
    %mul3A_14 = arith.muli %arg1, %mul3A_13 : i32
    %mul3A_15 = arith.constant 10240 : i32
    %mul3A_16 = arith.muli %arg0, %mul3A_15 : i32
    %mul3A_17 = arith.constant 640 : i32
    %mul3A_18 = arith.muli %arg1, %mul3A_17 : i32
    %add3A_19 = arith.addi %mul3A_16, %mul3A_18 : i32
    "tpu.region"() ({
      %run_scoped3A = tpu.sem_alloc : memref<!tpu.dma_semaphore, #tpu.memory_space<semaphore_mem>>
      %dma_start3A = arith.constant 0 : i32
      %dma_start3A_20 = tpu.memref_slice %arg6[%add3A_19, %dma_start3A] : memref<20480x128xf32, #tpu.memory_space<hbm>> -> memref<640x128xf32, #tpu.memory_space<hbm>>
      %dma_start3A_21 = arith.constant 0 : i32
      %dma_start3A_22 = tpu.memref_slice %arg10[%mul3A_14, %dma_start3A_21] : memref<10240x128xf32, #tpu.memory_space<vmem_shared>> -> memref<640x128xf32, #tpu.memory_space<vmem_shared>>
      tpu.enqueue_dma source(%dma_start3A_22 : memref<640x128xf32, #tpu.memory_space<vmem_shared>>) target(%dma_start3A_20 : memref<640x128xf32, #tpu.memory_space<hbm>>) target_semaphore(%run_scoped3A : memref<!tpu.dma_semaphore, #tpu.memory_space<semaphore_mem>>)
      %dma_wait3A = arith.constant 0 : i32
      %dma_wait3A_23 = tpu.memref_slice %arg6[%add3A_19, %dma_wait3A] : memref<20480x128xf32, #tpu.memory_space<hbm>> -> memref<640x128xf32, #tpu.memory_space<hbm>>
      %dma_wait3A_24 = arith.constant 0 : i32
      %dma_wait3A_25 = tpu.memref_slice %arg10[%mul3A_14, %dma_wait3A_24] : memref<10240x128xf32, #tpu.memory_space<vmem_shared>> -> memref<640x128xf32, #tpu.memory_space<vmem_shared>>
      tpu.wait_dma2 semaphore(%run_scoped3A : memref<!tpu.dma_semaphore, #tpu.memory_space<semaphore_mem>>) src(%dma_wait3A_25 : memref<640x128xf32, #tpu.memory_space<vmem_shared>>) dst(%dma_wait3A_23 : memref<640x128xf32, #tpu.memory_space<hbm>>)
      tpu.yield
    }) : () -> ()
    return
  }
}

#map = affine_map<(d0, d1) -> (0)>
module attributes {stable_mosaic.version = 14 : i64} {
  func.func @_deg_body(%arg0: i32, %arg1: i32, %arg2: memref<320000xi32, #tpu.memory_space<hbm>>, %arg3: memref<20480xf32, #tpu.memory_space<hbm>>, %arg4: memref<10000xi32, #tpu.memory_space<vmem>>, %arg5: memref<10240xf32, #tpu.memory_space<vmem>>, %arg6: memref<640xf32, #tpu.memory_space<vmem>>, %arg7: memref<640xf32, #tpu.memory_space<vmem>>, %arg8: memref<16x10240xf32, #tpu.memory_space<vmem_shared>>) attributes {dimension_semantics = [#tpu.dimension_semantics<core_parallel>, #tpu.dimension_semantics<subcore_parallel>], iteration_bounds = array<i64: 2, 16>, scalar_prefetch = 0 : i64, scratch_operands = 5 : i64, tpu.core_type = #tpu.core_type<sc_vector_subcore>, window_params = [{transform_indices = #map}, {transform_indices = #map}]} {
    %mul3A = arith.constant 2 : i32
    %mul3A_0 = arith.muli %arg1, %mul3A : i32
    %add3A = arith.addi %mul3A_0, %arg0 : i32
    %broadcast_in_dim3A = arith.constant 0.000000e+00 : f32
    %broadcast_in_dim3A_1 = vector.broadcast %broadcast_in_dim3A : f32 to vector<16xf32>
    %broadcast_in_dim3A_2 = arith.constant 1.000000e+00 : f32
    %broadcast_in_dim3A_3 = vector.broadcast %broadcast_in_dim3A_2 : f32 to vector<16xf32>
    %scan3A = arith.constant 0 : i32
    %scan3A_4 = arith.constant 0 : i32
    %scan3A_5 = arith.constant 640 : i32
    %scan3A_6 = arith.addi %scan3A_4, %scan3A_5 : i32
    %scan3A_7 = arith.constant 1 : i32
    scf.for %scan3A_30 = %scan3A_4 to %scan3A_6 step %scan3A_7  : i32 {
      %mul3A_31 = arith.constant 16 : i32
      %mul3A_32 = arith.muli %scan3A_30, %mul3A_31 : i32
      %multiple_of3A = tpu.assume_multiple %mul3A_32, 16 : i32
      %swap3A = arith.index_cast %multiple_of3A : i32 to index
      %swap3A_33 = tpu.vector_load %arg5[%swap3A] {strides = array<i32>} : memref<10240xf32, #tpu.memory_space<vmem>>, vector<16xf32>,
      tpu.vector_store %arg5[%swap3A], %broadcast_in_dim3A_1 {strides = array<i32>} : memref<10240xf32, #tpu.memory_space<vmem>>, vector<16xf32>,
    }
    %scan3A_8 = arith.constant 640 : i32
    %mul3A_9 = arith.constant 10000 : i32
    %mul3A_10 = arith.muli %add3A, %mul3A_9 : i32
    "tpu.region"() ({
      %run_scoped3A_30 = tpu.sem_alloc : memref<!tpu.dma_semaphore, #tpu.memory_space<semaphore_mem>>
      %dma_start3A = tpu.memref_slice %arg2[%mul3A_10] : memref<320000xi32, #tpu.memory_space<hbm>> -> memref<10000xi32, #tpu.memory_space<hbm>>
      %dma_start3A_31 = tpu.memref_slice %arg2[%mul3A_10] : memref<320000xi32, #tpu.memory_space<hbm>> -> memref<10000xi32, #tpu.memory_space<hbm>>
      tpu.enqueue_dma source(%dma_start3A_31 : memref<10000xi32, #tpu.memory_space<hbm>>) target(%arg4 : memref<10000xi32, #tpu.memory_space<vmem>>) target_semaphore(%run_scoped3A_30 : memref<!tpu.dma_semaphore, #tpu.memory_space<semaphore_mem>>)
      %dma_wait3A = tpu.memref_slice %arg2[%mul3A_10] : memref<320000xi32, #tpu.memory_space<hbm>> -> memref<10000xi32, #tpu.memory_space<hbm>>
      %dma_wait3A_32 = tpu.memref_slice %arg2[%mul3A_10] : memref<320000xi32, #tpu.memory_space<hbm>> -> memref<10000xi32, #tpu.memory_space<hbm>>
      tpu.wait_dma2 semaphore(%run_scoped3A_30 : memref<!tpu.dma_semaphore, #tpu.memory_space<semaphore_mem>>) src(%dma_wait3A_32 : memref<10000xi32, #tpu.memory_space<hbm>>) dst(%arg4 : memref<10000xi32, #tpu.memory_space<vmem>>)
      tpu.yield
    }) : () -> ()
    %scan3A_11 = arith.constant 0 : i32
    %scan3A_12 = arith.constant 0 : i32
    %scan3A_13 = arith.constant 625 : i32
    %scan3A_14 = arith.addi %scan3A_12, %scan3A_13 : i32
    %scan3A_15 = arith.constant 1 : i32
    scf.for %scan3A_30 = %scan3A_12 to %scan3A_14 step %scan3A_15  : i32 {
      %mul3A_31 = arith.constant 16 : i32
      %mul3A_32 = arith.muli %scan3A_30, %mul3A_31 : i32
      %multiple_of3A = tpu.assume_multiple %mul3A_32, 16 : i32
      %get3A = arith.index_cast %multiple_of3A : i32 to index
      %get3A_33 = tpu.vector_load %arg4[%get3A] {strides = array<i32>} : memref<10000xi32, #tpu.memory_space<vmem>>, vector<16xi32>,
      tpu.vector_store_idx %arg5[%get3A_33], %broadcast_in_dim3A_3 {add = true} : memref<10240xf32, #tpu.memory_space<vmem>>[vector<16xi32>], vector<16xf32>,
    }
    %scan3A_16 = arith.constant 625 : i32
    "tpu.region"() ({
      %run_scoped3A_30 = tpu.sem_alloc : memref<!tpu.dma_semaphore, #tpu.memory_space<semaphore_mem>>
      %dma_start3A = arith.constant 0 : i32
      %dma_start3A_31 = tpu.memref_slice %arg8[%arg1, %dma_start3A] : memref<16x10240xf32, #tpu.memory_space<vmem_shared>> -> memref<1x10240xf32, #tpu.memory_space<vmem_shared>>
      %dma_start3A_32 = tpu.memref_squeeze %dma_start3A_31 : memref<1x10240xf32, #tpu.memory_space<vmem_shared>> -> memref<10240xf32, #tpu.memory_space<vmem_shared>>
      %dma_start3A_33 = arith.constant 0 : i32
      %dma_start3A_34 = tpu.memref_slice %arg8[%arg1, %dma_start3A_33] : memref<16x10240xf32, #tpu.memory_space<vmem_shared>> -> memref<1x10240xf32, #tpu.memory_space<vmem_shared>>
      %dma_start3A_35 = tpu.memref_squeeze %dma_start3A_34 : memref<1x10240xf32, #tpu.memory_space<vmem_shared>> -> memref<10240xf32, #tpu.memory_space<vmem_shared>>
      tpu.enqueue_dma source(%arg5 : memref<10240xf32, #tpu.memory_space<vmem>>) target(%dma_start3A_35 : memref<10240xf32, #tpu.memory_space<vmem_shared>>) target_semaphore(%run_scoped3A_30 : memref<!tpu.dma_semaphore, #tpu.memory_space<semaphore_mem>>)
      %dma_wait3A = arith.constant 0 : i32
      %dma_wait3A_36 = tpu.memref_slice %arg8[%arg1, %dma_wait3A] : memref<16x10240xf32, #tpu.memory_space<vmem_shared>> -> memref<1x10240xf32, #tpu.memory_space<vmem_shared>>
      %dma_wait3A_37 = tpu.memref_squeeze %dma_wait3A_36 : memref<1x10240xf32, #tpu.memory_space<vmem_shared>> -> memref<10240xf32, #tpu.memory_space<vmem_shared>>
      %dma_wait3A_38 = arith.constant 0 : i32
      %dma_wait3A_39 = tpu.memref_slice %arg8[%arg1, %dma_wait3A_38] : memref<16x10240xf32, #tpu.memory_space<vmem_shared>> -> memref<1x10240xf32, #tpu.memory_space<vmem_shared>>
      %dma_wait3A_40 = tpu.memref_squeeze %dma_wait3A_39 : memref<1x10240xf32, #tpu.memory_space<vmem_shared>> -> memref<10240xf32, #tpu.memory_space<vmem_shared>>
      tpu.wait_dma2 semaphore(%run_scoped3A_30 : memref<!tpu.dma_semaphore, #tpu.memory_space<semaphore_mem>>) src(%arg5 : memref<10240xf32, #tpu.memory_space<vmem>>) dst(%dma_wait3A_40 : memref<10240xf32, #tpu.memory_space<vmem_shared>>)
      tpu.yield
    }) : () -> ()
    %barrier3A = arith.constant 0 : index
    tpu.barrier barrier_id(%barrier3A)
    %mul3A_17 = arith.constant 640 : i32
    %mul3A_18 = arith.muli %arg1, %mul3A_17 : i32
    %run_scoped3A = arith.constant 0 : i32
    "tpu.region"() ({
      %run_scoped3A_30 = tpu.sem_alloc : memref<!tpu.dma_semaphore, #tpu.memory_space<semaphore_mem>>
      %dma_start3A = tpu.memref_slice %arg8[%run_scoped3A, %mul3A_18] : memref<16x10240xf32, #tpu.memory_space<vmem_shared>> -> memref<1x640xf32, #tpu.memory_space<vmem_shared>>
      %dma_start3A_31 = tpu.memref_squeeze %dma_start3A : memref<1x640xf32, #tpu.memory_space<vmem_shared>> -> memref<640xf32, #tpu.memory_space<vmem_shared>>
      %dma_start3A_32 = tpu.memref_slice %arg8[%run_scoped3A, %mul3A_18] : memref<16x10240xf32, #tpu.memory_space<vmem_shared>> -> memref<1x640xf32, #tpu.memory_space<vmem_shared>>
      %dma_start3A_33 = tpu.memref_squeeze %dma_start3A_32 : memref<1x640xf32, #tpu.memory_space<vmem_shared>> -> memref<640xf32, #tpu.memory_space<vmem_shared>>
      tpu.enqueue_dma source(%dma_start3A_33 : memref<640xf32, #tpu.memory_space<vmem_shared>>) target(%arg6 : memref<640xf32, #tpu.memory_space<vmem>>) target_semaphore(%run_scoped3A_30 : memref<!tpu.dma_semaphore, #tpu.memory_space<semaphore_mem>>)
      %dma_wait3A = tpu.memref_slice %arg8[%run_scoped3A, %mul3A_18] : memref<16x10240xf32, #tpu.memory_space<vmem_shared>> -> memref<1x640xf32, #tpu.memory_space<vmem_shared>>
      %dma_wait3A_34 = tpu.memref_squeeze %dma_wait3A : memref<1x640xf32, #tpu.memory_space<vmem_shared>> -> memref<640xf32, #tpu.memory_space<vmem_shared>>
      %dma_wait3A_35 = tpu.memref_slice %arg8[%run_scoped3A, %mul3A_18] : memref<16x10240xf32, #tpu.memory_space<vmem_shared>> -> memref<1x640xf32, #tpu.memory_space<vmem_shared>>
      %dma_wait3A_36 = tpu.memref_squeeze %dma_wait3A_35 : memref<1x640xf32, #tpu.memory_space<vmem_shared>> -> memref<640xf32, #tpu.memory_space<vmem_shared>>
      tpu.wait_dma2 semaphore(%run_scoped3A_30 : memref<!tpu.dma_semaphore, #tpu.memory_space<semaphore_mem>>) src(%dma_wait3A_36 : memref<640xf32, #tpu.memory_space<vmem_shared>>) dst(%arg6 : memref<640xf32, #tpu.memory_space<vmem>>)
      tpu.yield
    }) : () -> ()
    %scan3A_19 = arith.constant 0 : i32
    %scan3A_20 = arith.constant 1 : i32
    %scan3A_21 = arith.constant 15 : i32
    %scan3A_22 = arith.addi %scan3A_20, %scan3A_21 : i32
    %scan3A_23 = arith.constant 1 : i32
    scf.for %scan3A_30 = %scan3A_20 to %scan3A_22 step %scan3A_23  : i32 {
      %mul3A_31 = arith.constant 640 : i32
      %mul3A_32 = arith.muli %arg1, %mul3A_31 : i32
      "tpu.region"() ({
        %run_scoped3A_39 = tpu.sem_alloc : memref<!tpu.dma_semaphore, #tpu.memory_space<semaphore_mem>>
        %dma_start3A = tpu.memref_slice %arg8[%scan3A_30, %mul3A_32] : memref<16x10240xf32, #tpu.memory_space<vmem_shared>> -> memref<1x640xf32, #tpu.memory_space<vmem_shared>>
        %dma_start3A_40 = tpu.memref_squeeze %dma_start3A : memref<1x640xf32, #tpu.memory_space<vmem_shared>> -> memref<640xf32, #tpu.memory_space<vmem_shared>>
        %dma_start3A_41 = tpu.memref_slice %arg8[%scan3A_30, %mul3A_32] : memref<16x10240xf32, #tpu.memory_space<vmem_shared>> -> memref<1x640xf32, #tpu.memory_space<vmem_shared>>
        %dma_start3A_42 = tpu.memref_squeeze %dma_start3A_41 : memref<1x640xf32, #tpu.memory_space<vmem_shared>> -> memref<640xf32, #tpu.memory_space<vmem_shared>>
        tpu.enqueue_dma source(%dma_start3A_42 : memref<640xf32, #tpu.memory_space<vmem_shared>>) target(%arg7 : memref<640xf32, #tpu.memory_space<vmem>>) target_semaphore(%run_scoped3A_39 : memref<!tpu.dma_semaphore, #tpu.memory_space<semaphore_mem>>)
        %dma_wait3A = tpu.memref_slice %arg8[%scan3A_30, %mul3A_32] : memref<16x10240xf32, #tpu.memory_space<vmem_shared>> -> memref<1x640xf32, #tpu.memory_space<vmem_shared>>
        %dma_wait3A_43 = tpu.memref_squeeze %dma_wait3A : memref<1x640xf32, #tpu.memory_space<vmem_shared>> -> memref<640xf32, #tpu.memory_space<vmem_shared>>
        %dma_wait3A_44 = tpu.memref_slice %arg8[%scan3A_30, %mul3A_32] : memref<16x10240xf32, #tpu.memory_space<vmem_shared>> -> memref<1x640xf32, #tpu.memory_space<vmem_shared>>
        %dma_wait3A_45 = tpu.memref_squeeze %dma_wait3A_44 : memref<1x640xf32, #tpu.memory_space<vmem_shared>> -> memref<640xf32, #tpu.memory_space<vmem_shared>>
        tpu.wait_dma2 semaphore(%run_scoped3A_39 : memref<!tpu.dma_semaphore, #tpu.memory_space<semaphore_mem>>) src(%dma_wait3A_45 : memref<640xf32, #tpu.memory_space<vmem_shared>>) dst(%arg7 : memref<640xf32, #tpu.memory_space<vmem>>)
        tpu.yield
      }) : () -> ()
      %scan3A_33 = arith.constant 0 : i32
      %scan3A_34 = arith.constant 0 : i32
      %scan3A_35 = arith.constant 40 : i32
      %scan3A_36 = arith.addi %scan3A_34, %scan3A_35 : i32
      %scan3A_37 = arith.constant 1 : i32
      scf.for %scan3A_39 = %scan3A_34 to %scan3A_36 step %scan3A_37  : i32 {
        %mul3A_40 = arith.constant 16 : i32
        %mul3A_41 = arith.muli %scan3A_39, %mul3A_40 : i32
        %multiple_of3A = tpu.assume_multiple %mul3A_41, 16 : i32
        %get3A = arith.index_cast %multiple_of3A : i32 to index
        %get3A_42 = tpu.vector_load %arg6[%get3A] {strides = array<i32>} : memref<640xf32, #tpu.memory_space<vmem>>, vector<16xf32>,
        %get3A_43 = arith.index_cast %multiple_of3A : i32 to index
        %get3A_44 = tpu.vector_load %arg7[%get3A_43] {strides = array<i32>} : memref<640xf32, #tpu.memory_space<vmem>>, vector<16xf32>,
        %add3A_45 = arith.addf %get3A_42, %get3A_44 : vector<16xf32>
        %swap3A = arith.index_cast %multiple_of3A : i32 to index
        %swap3A_46 = tpu.vector_load %arg6[%swap3A] {strides = array<i32>} : memref<640xf32, #tpu.memory_space<vmem>>, vector<16xf32>,
        tpu.vector_store %arg6[%swap3A], %add3A_45 {strides = array<i32>} : memref<640xf32, #tpu.memory_space<vmem>>, vector<16xf32>,
      }
      %scan3A_38 = arith.constant 40 : i32
    }
    %scan3A_24 = arith.constant 15 : i32
    %mul3A_25 = arith.constant 10240 : i32
    %mul3A_26 = arith.muli %arg0, %mul3A_25 : i32
    %mul3A_27 = arith.constant 640 : i32
    %mul3A_28 = arith.muli %arg1, %mul3A_27 : i32
    %add3A_29 = arith.addi %mul3A_26, %mul3A_28 : i32
    "tpu.region"() ({
      %run_scoped3A_30 = tpu.sem_alloc : memref<!tpu.dma_semaphore, #tpu.memory_space<semaphore_mem>>
      %dma_start3A = tpu.memref_slice %arg3[%add3A_29] : memref<20480xf32, #tpu.memory_space<hbm>> -> memref<640xf32, #tpu.memory_space<hbm>>
      %dma_start3A_31 = tpu.memref_slice %arg3[%add3A_29] : memref<20480xf32, #tpu.memory_space<hbm>> -> memref<640xf32, #tpu.memory_space<hbm>>
      tpu.enqueue_dma source(%arg6 : memref<640xf32, #tpu.memory_space<vmem>>) target(%dma_start3A_31 : memref<640xf32, #tpu.memory_space<hbm>>) target_semaphore(%run_scoped3A_30 : memref<!tpu.dma_semaphore, #tpu.memory_space<semaphore_mem>>)
      %dma_wait3A = tpu.memref_slice %arg3[%add3A_29] : memref<20480xf32, #tpu.memory_space<hbm>> -> memref<640xf32, #tpu.memory_space<hbm>>
      %dma_wait3A_32 = tpu.memref_slice %arg3[%add3A_29] : memref<20480xf32, #tpu.memory_space<hbm>> -> memref<640xf32, #tpu.memory_space<hbm>>
      tpu.wait_dma2 semaphore(%run_scoped3A_30 : memref<!tpu.dma_semaphore, #tpu.memory_space<semaphore_mem>>) src(%arg6 : memref<640xf32, #tpu.memory_space<vmem>>) dst(%dma_wait3A_32 : memref<640xf32, #tpu.memory_space<hbm>>)
      tpu.yield
    }) : () -> ()
    return
  }
}

module attributes {stable_mosaic.version = 14 : i64} {
  func.func @_prescale_body(%arg0: memref<10000x128xf32, #tpu.memory_space<vmem>>, %arg1: memref<128x128xf32, #tpu.memory_space<vmem>>, %arg2: memref<384x128xf32, #tpu.memory_space<vmem>>, %arg3: memref<384x128xf32, #tpu.memory_space<vmem>>, %arg4: memref<1x384xf32, #tpu.memory_space<vmem>>, %arg5: memref<1x384xf32, #tpu.memory_space<vmem>>, %arg6: memref<2x10240x1xf32, #tpu.memory_space<vmem>>, %arg7: memref<10240x128xf32, #tpu.memory_space<vmem>>) attributes {dimension_semantics = [], scalar_prefetch = 0 : i64, scratch_operands = 0 : i64, tpu.core_type = #tpu.core_type<tc>} {
    %get3A = arith.constant 0 : index
    %get3A_0 = arith.constant 0 : index
    %get3A_1 = vector.load %arg1[%get3A, %get3A_0] : memref<128x128xf32, #tpu.memory_space<vmem>>, vector<128x128xf32>
    %get3A_2 = arith.constant 0 : index
    %get3A_3 = arith.constant 0 : index
    %get3A_4 = vector.load %arg2[%get3A_2, %get3A_3] : memref<384x128xf32, #tpu.memory_space<vmem>>, vector<384x128xf32>
    %dot_general3A = arith.constant dense<0.000000e+00> : vector<128x384xf32>
    %dot_general3A_5 = tpu.matmul %get3A_1, %get3A_4, %dot_general3A {dimension_numbers = #tpu.dot_dimension_numbers<[1], [1], [0], [0], [0, 0, 1, 0], [], []>, transpose_lhs_hint = false} : vector<128x128xf32>, vector<384x128xf32>, vector<128x384xf32> -> vector<128x384xf32>
    %get3A_6 = arith.constant 0 : index
    %get3A_7 = arith.constant 0 : index
    %get3A_8 = vector.load %arg4[%get3A_6, %get3A_7] : memref<1x384xf32, #tpu.memory_space<vmem>>, vector<1x384xf32>
    %add3A = vector.broadcast %get3A_8 : vector<1x384xf32> to vector<128x384xf32>
    %add3A_9 = arith.addf %dot_general3A_5, %add3A : vector<128x384xf32>
    %get3A_10 = arith.constant 0 : index
    %get3A_11 = arith.constant 0 : index
    %get3A_12 = vector.load %arg3[%get3A_10, %get3A_11] : memref<384x128xf32, #tpu.memory_space<vmem>>, vector<384x128xf32>
    %dot_general3A_13 = arith.constant dense<0.000000e+00> : vector<128x384xf32>
    %dot_general3A_14 = tpu.matmul %get3A_1, %get3A_12, %dot_general3A_13 {dimension_numbers = #tpu.dot_dimension_numbers<[1], [1], [0], [0], [0, 0, 1, 0], [], []>, transpose_lhs_hint = false} : vector<128x128xf32>, vector<384x128xf32>, vector<128x384xf32> -> vector<128x384xf32>
    %get3A_15 = arith.constant 0 : index
    %get3A_16 = arith.constant 0 : index
    %get3A_17 = vector.load %arg5[%get3A_15, %get3A_16] : memref<1x384xf32, #tpu.memory_space<vmem>>, vector<1x384xf32>
    %add3A_18 = vector.broadcast %get3A_17 : vector<1x384xf32> to vector<128x384xf32>
    %add3A_19 = arith.addf %dot_general3A_14, %add3A_18 : vector<128x384xf32>
    %slice3A = vector.extract_strided_slice %add3A_9 {offsets = [0, 0], sizes = [128, 128], strides = [1, 1]} : vector<128x384xf32> to vector<128x128xf32>
    %slice3A_20 = vector.extract_strided_slice %add3A_19 {offsets = [0, 0], sizes = [128, 128], strides = [1, 1]} : vector<128x384xf32> to vector<128x128xf32>
    %add3A_21 = arith.addf %slice3A, %slice3A_20 : vector<128x128xf32>
    %logistic3A = arith.negf %add3A_21 : vector<128x128xf32>
    %logistic3A_22 = math.exp %logistic3A : vector<128x128xf32>
    %logistic3A_23 = arith.constant 1.000000e+00 : f32
    %logistic3A_24 = vector.broadcast %logistic3A_23 : f32 to vector<128x128xf32>
    %logistic3A_25 = arith.addf %logistic3A_24, %logistic3A_22 : vector<128x128xf32>
    %logistic3A_26 = arith.divf %logistic3A_24, %logistic3A_25 : vector<128x128xf32>
    %slice3A_27 = vector.extract_strided_slice %add3A_9 {offsets = [0, 128], sizes = [128, 128], strides = [1, 1]} : vector<128x384xf32> to vector<128x128xf32>
    %slice3A_28 = vector.extract_strided_slice %add3A_19 {offsets = [0, 128], sizes = [128, 128], strides = [1, 1]} : vector<128x384xf32> to vector<128x128xf32>
    %add3A_29 = arith.addf %slice3A_27, %slice3A_28 : vector<128x128xf32>
    %logistic3A_30 = arith.negf %add3A_29 : vector<128x128xf32>
    %logistic3A_31 = math.exp %logistic3A_30 : vector<128x128xf32>
    %logistic3A_32 = arith.constant 1.000000e+00 : f32
    %logistic3A_33 = vector.broadcast %logistic3A_32 : f32 to vector<128x128xf32>
    %logistic3A_34 = arith.addf %logistic3A_33, %logistic3A_31 : vector<128x128xf32>
    %logistic3A_35 = arith.divf %logistic3A_33, %logistic3A_34 : vector<128x128xf32>
    %slice3A_36 = vector.extract_strided_slice %add3A_9 {offsets = [0, 256], sizes = [128, 128], strides = [1, 1]} : vector<128x384xf32> to vector<128x128xf32>
    %slice3A_37 = vector.extract_strided_slice %add3A_19 {offsets = [0, 256], sizes = [128, 128], strides = [1, 1]} : vector<128x384xf32> to vector<128x128xf32>
    %mul3A = arith.mulf %logistic3A_26, %slice3A_37 : vector<128x128xf32>
    %add3A_38 = arith.addf %slice3A_36, %mul3A : vector<128x128xf32>
    %tanh3A = math.tanh %add3A_38 : vector<128x128xf32>
    %sub3A = arith.constant 1.000000e+00 : f32
    %sub3A_39 = vector.broadcast %sub3A : f32 to vector<128x128xf32>
    %sub3A_40 = arith.subf %sub3A_39, %logistic3A_35 : vector<128x128xf32>
    %mul3A_41 = arith.mulf %sub3A_40, %tanh3A : vector<128x128xf32>
    %mul3A_42 = arith.mulf %logistic3A_35, %get3A_1 : vector<128x128xf32>
    %add3A_43 = arith.addf %mul3A_41, %mul3A_42 : vector<128x128xf32>
    %get3A_44 = arith.constant 0 : index
    %get3A_45 = arith.constant 0 : index
    %get3A_46 = vector.load %arg0[%get3A_44, %get3A_45] : memref<10000x128xf32, #tpu.memory_space<vmem>>, vector<10000x128xf32>
    %dot_general3A_47 = arith.constant dense<0.000000e+00> : vector<10000x128xf32>
    %dot_general3A_48 = tpu.matmul %get3A_46, %add3A_43, %dot_general3A_47 {dimension_numbers = #tpu.dot_dimension_numbers<[1], [0], [0], [1], [0, 0, 1, 1], [], []>, transpose_lhs_hint = false} : vector<10000x128xf32>, vector<128x128xf32>, vector<10000x128xf32> -> vector<10000x128xf32>
    %get3A_49 = arith.constant 0 : index
    %get3A_50 = arith.constant 0 : index
    %get3A_51 = arith.constant 0 : index
    %get3A_52 = vector.load %arg6[%get3A_49, %get3A_50, %get3A_51] : memref<2x10240x1xf32, #tpu.memory_space<vmem>>, vector<1x10000x1xf32>
    %get3A_53 = vector.shape_cast %get3A_52 : vector<1x10000x1xf32> to vector<10000x1xf32>
    %get3A_54 = arith.constant 1 : index
    %get3A_55 = arith.constant 0 : index
    %get3A_56 = arith.constant 0 : index
    %get3A_57 = vector.load %arg6[%get3A_54, %get3A_55, %get3A_56] : memref<2x10240x1xf32, #tpu.memory_space<vmem>>, vector<1x10000x1xf32>
    %get3A_58 = vector.shape_cast %get3A_57 : vector<1x10000x1xf32> to vector<10000x1xf32>
    %add3A_59 = arith.addf %get3A_53, %get3A_58 : vector<10000x1xf32>
    %add3A_60 = arith.constant 1.000000e+00 : f32
    %add3A_61 = vector.broadcast %add3A_60 : f32 to vector<10000x1xf32>
    %add3A_62 = arith.addf %add3A_59, %add3A_61 : vector<10000x1xf32>
    %rsqrt3A = math.rsqrt %add3A_62 : vector<10000x1xf32>
    %mul3A_63 = vector.broadcast %rsqrt3A : vector<10000x1xf32> to vector<10000x128xf32>
    %mul3A_64 = arith.mulf %dot_general3A_48, %mul3A_63 : vector<10000x128xf32>
    %swap3A = arith.constant 0 : index
    %swap3A_65 = arith.constant 0 : index
    %swap3A_66 = vector.load %arg7[%swap3A, %swap3A_65] : memref<10240x128xf32, #tpu.memory_space<vmem>>, vector<10000x128xf32>
    tpu.vector_store %arg7[%swap3A, %swap3A_65], %mul3A_64 {strides = array<i32>} : memref<10240x128xf32, #tpu.memory_space<vmem>>, vector<10000x128xf32>,
    %broadcast_in_dim3A = arith.constant 0.000000e+00 : f32
    %broadcast_in_dim3A_67 = vector.broadcast %broadcast_in_dim3A : f32 to vector<240x128xf32>
    %swap3A_68 = arith.constant 10000 : index
    %swap3A_69 = arith.constant 0 : index
    %swap3A_70 = vector.load %arg7[%swap3A_68, %swap3A_69] : memref<10240x128xf32, #tpu.memory_space<vmem>>, vector<240x128xf32>
    tpu.vector_store %arg7[%swap3A_68, %swap3A_69], %broadcast_in_dim3A_67 {strides = array<i32>} : memref<10240x128xf32, #tpu.memory_space<vmem>>, vector<240x128xf32>,
    return
  }
}

module attributes {stable_mosaic.version = 14 : i64} {
  func.func @_out_body(%arg0: memref<2x10240x128xf32, #tpu.memory_space<vmem>>, %arg1: memref<10240x128xf32, #tpu.memory_space<vmem>>, %arg2: memref<2x10240x1xf32, #tpu.memory_space<vmem>>, %arg3: memref<128x128xf32, #tpu.memory_space<vmem>>, %arg4: memref<1x128xf32, #tpu.memory_space<vmem>>, %arg5: memref<10000x128xf32, #tpu.memory_space<vmem>>) attributes {dimension_semantics = [], scalar_prefetch = 0 : i64, scratch_operands = 0 : i64, tpu.core_type = #tpu.core_type<tc>} {
    %get3A = arith.constant 0 : index
    %get3A_0 = arith.constant 0 : index
    %get3A_1 = arith.constant 0 : index
    %get3A_2 = vector.load %arg2[%get3A, %get3A_0, %get3A_1] : memref<2x10240x1xf32, #tpu.memory_space<vmem>>, vector<1x10000x1xf32>
    %get3A_3 = vector.shape_cast %get3A_2 : vector<1x10000x1xf32> to vector<10000x1xf32>
    %get3A_4 = arith.constant 1 : index
    %get3A_5 = arith.constant 0 : index
    %get3A_6 = arith.constant 0 : index
    %get3A_7 = vector.load %arg2[%get3A_4, %get3A_5, %get3A_6] : memref<2x10240x1xf32, #tpu.memory_space<vmem>>, vector<1x10000x1xf32>
    %get3A_8 = vector.shape_cast %get3A_7 : vector<1x10000x1xf32> to vector<10000x1xf32>
    %add3A = arith.addf %get3A_3, %get3A_8 : vector<10000x1xf32>
    %add3A_9 = arith.constant 1.000000e+00 : f32
    %add3A_10 = vector.broadcast %add3A_9 : f32 to vector<10000x1xf32>
    %add3A_11 = arith.addf %add3A, %add3A_10 : vector<10000x1xf32>
    %get3A_12 = arith.constant 0 : index
    %get3A_13 = arith.constant 0 : index
    %get3A_14 = arith.constant 0 : index
    %get3A_15 = vector.load %arg0[%get3A_12, %get3A_13, %get3A_14] : memref<2x10240x128xf32, #tpu.memory_space<vmem>>, vector<1x10000x128xf32>
    %get3A_16 = vector.shape_cast %get3A_15 : vector<1x10000x128xf32> to vector<10000x128xf32>
    %get3A_17 = arith.constant 1 : index
    %get3A_18 = arith.constant 0 : index
    %get3A_19 = arith.constant 0 : index
    %get3A_20 = vector.load %arg0[%get3A_17, %get3A_18, %get3A_19] : memref<2x10240x128xf32, #tpu.memory_space<vmem>>, vector<1x10000x128xf32>
    %get3A_21 = vector.shape_cast %get3A_20 : vector<1x10000x128xf32> to vector<10000x128xf32>
    %add3A_22 = arith.addf %get3A_16, %get3A_21 : vector<10000x128xf32>
    %get3A_23 = arith.constant 0 : index
    %get3A_24 = arith.constant 0 : index
    %get3A_25 = vector.load %arg1[%get3A_23, %get3A_24] : memref<10240x128xf32, #tpu.memory_space<vmem>>, vector<10000x128xf32>
    %add3A_26 = arith.addf %add3A_22, %get3A_25 : vector<10000x128xf32>
    %rsqrt3A = math.rsqrt %add3A_11 : vector<10000x1xf32>
    %mul3A = vector.broadcast %rsqrt3A : vector<10000x1xf32> to vector<10000x128xf32>
    %mul3A_27 = arith.mulf %add3A_26, %mul3A : vector<10000x128xf32>
    %max3A = arith.constant 0.000000e+00 : f32
    %max3A_28 = vector.broadcast %max3A : f32 to vector<10000x128xf32>
    %max3A_29 = arith.maximumf %mul3A_27, %max3A_28 : vector<10000x128xf32>
    %get3A_30 = arith.constant 0 : index
    %get3A_31 = arith.constant 0 : index
    %get3A_32 = vector.load %arg3[%get3A_30, %get3A_31] : memref<128x128xf32, #tpu.memory_space<vmem>>, vector<128x128xf32>
    %dot_general3A = arith.constant dense<0.000000e+00> : vector<10000x128xf32>
    %dot_general3A_33 = tpu.matmul %max3A_29, %get3A_32, %dot_general3A {dimension_numbers = #tpu.dot_dimension_numbers<[1], [1], [0], [0], [0, 0, 1, 0], [], []>, transpose_lhs_hint = false} : vector<10000x128xf32>, vector<128x128xf32>, vector<10000x128xf32> -> vector<10000x128xf32>
    %get3A_34 = arith.constant 0 : index
    %get3A_35 = arith.constant 0 : index
    %get3A_36 = vector.load %arg4[%get3A_34, %get3A_35] : memref<1x128xf32, #tpu.memory_space<vmem>>, vector<1x128xf32>
    %add3A_37 = vector.broadcast %get3A_36 : vector<1x128xf32> to vector<10000x128xf32>
    %add3A_38 = arith.addf %dot_general3A_33, %add3A_37 : vector<10000x128xf32>
    %swap3A = arith.constant 0 : index
    %swap3A_39 = arith.constant 0 : index
    %swap3A_40 = vector.load %arg5[%swap3A, %swap3A_39] : memref<10000x128xf32, #tpu.memory_space<vmem>>, vector<10000x128xf32>
    tpu.vector_store %arg5[%swap3A, %swap3A_39], %add3A_38 {strides = array<i32>} : memref<10000x128xf32, #tpu.memory_space<vmem>>, vector<10000x128xf32>,
    return
  }
}

</mosaic_0001>

<sc_bundles>
// kernel: kernel.6.cloned.1.call-start
scs
__scs_entry_jumppad:
0x0: {  	(pc) =	sbr.rel $0x88, $3  }
0x1: {  	(tag) =	ssettag $0x0;
	lr =	simm.s32 $0x1  }
0x2: {  	[smem:$0x3F97] =	sst lr;
	_ =	strace $0xD0000000  }
0x3: {  	_ = 	snop  }
0x4: {  	_ = 	snop  }
0x5: {  	_ = 	snop  }
0x6: {  	_ = 	snop  }
0x7: {  	_ = 	snop  }
__scs_overlays_trampoline_lowered:
0x8: {  	[smem:$0x3FA6] =	sst s0  }
0x9: {  	[smem:$0x3FA7] =	sst s1  }
0xa: {  	[smem:$0x3FA8] =	sst s2  }
0xb: {  	[smem:$0x3FA9] =	sst s3  }
0xc: {  	[smem:$0x3FAA] =	sst s4  }
0xd: {  	[smem:$0x3FAB] =	sst s5  }
0xe: {  	[smem:$0x3FAC] =	sst s6  }
0xf: {  	[smem:$0x3FAD] =	sst s7  }
0x10: {  	[smem:$0x3FAE] =	sst s8  }
0x11: {  	[smem:$0x3FAF] =	sst s9;
	s0 =	simm.s32 @!p0 $0x0  }
0x12: {  	s1 =	sld [smem:$0x3F95];
	s0 =	simm.s32 @p0 $0x1  }
0x13: {  	[smem:$0x3FB0] =	sst s0;
	s0 =	simm.s32 @!p1 $0x0  }
0x14: {  	s2 =	sld [smem:$0x3F94];
	s0 =	simm.s32 @p1 $0x1  }
0x15: {  	[smem:$0x3FB1] =	sst s0;
	s0 =	simm.s32 @!p2 $0x0  }
0x16: {  	s3 =	sld [smem:$0x3FDB];
	s0 =	simm.s32 @p2 $0x1  }
0x17: {  	s4 =	simm.s32 $0x1BF5;
	[smem:$0x3FB3] =	sst s0  }
0x18: {  	s0 =	sld [smem:$0x3F96];
	_ =	swait.ge [sflag:s4], $0x0  }
0x19: {  	s7 =	sld [smem:$0x3F97]  }
0x1a: {  	s8 =	sadd.s32 $0xFFFFE003, lr  }
0x1b: {  	s9 =	sadd.s32 $0xFFFFFEF7, lr;
	s5 =	simm.s32 $0xFFFFFFFF;
	p2 =	slt.u32 s8, $0xFFFFF086  }
0x1c: {  	p1 =	slt.u32 s9, $0xF7A;
	s5 =	simm.s32 @!p2 $0x0  }
0x1d: {  	s5 =	simm.s32 @p1 $0x1;
	p0 =	seq.s32 s7, s2  }
0x1e: {  	s7 =	smul.u32 @!p0 $0xF7A, s2;
	p2 =	seq.s32 @!p0 s5, $0x0  }
0x1f: {  	s9 =	smul.u32 $0xF7A, s1;
	s8 =	simm.s32 @!p0 $0x1BF5;
	p2 =	por !p2, p0  }
0x20: {  	[sflag:s8] =	ssyncset.s32 @!p0 $0xFFFFF086;
	s6 =	sadd.s32 @!p0 s3, s7;
	s7 =	simm.s32 @!p0 $0x108  }
0x21: {  	s3 =	sadd.s32 s3, s9;
	s6 =	sadd.s32 @!p0 $0x88, s6;
	s7 =	simm.s32 @p2 $0x1082  }
0x22: {  	[simem:s7], [sflag:s8] =	dma.local @!p0 [hbm:s6], $0xF7A  }
0x23: {  	s9 =	sor.u32 $0xD0000000, s2;
	s6 =	simm.s32 $0x108;
	_ =	swait.ge @!p0 [sflag:s8], $0x0  }
0x24: {  	s3 =	sadd.s32 $0x88, s3;
	s6 =	simm.s32 @!p1 $0x1082;
	[sflag:s4] =	ssyncset.s32 $0xFFFFF086  }
0x25: {  	[simem:s6], [sflag:s4] =	dma.local [hbm:s3], $0xF7A  }
0x26: {  	[smem:$0x3F97] =	sst s1;
	(tag) =	ssettag s2;
	_ =	strace s9  }
0x27: {  	s1 =	sld [smem:$0x3FA7]  }
0x28: {  	s2 =	sld [smem:$0x3FA8]  }
0x29: {  	s4 =	sld [smem:$0x3FAA]  }
0x2a: {  	p0 =	seq.s32 s5, $0x0;
	s5 =	sld [smem:$0x3FAB]  }
0x2b: {  	s6 =	sld [smem:$0x3FAC]  }
0x2c: {  	s7 =	sld [smem:$0x3FAD]  }
0x2d: {  	s3 =	simm.s32 $0x108;
	s8 =	sld [smem:$0x3FAE]  }
0x2e: {  	s3 =	simm.s32 @!p0 $0x1082;
	s9 =	sld [smem:$0x3FAF]  }
0x2f: {  	lr =	sadd.s32 s0, s3;
	s0 =	sld [smem:$0x3FA6]  }
0x30: {  	s3 =	sld [smem:$0x3FA9]  }
0x31: {  	[smem:$0x3FB2] =	sst s10  }
0x32: {  	s10 =	sld [smem:$0x3FB0];
	_ =	sdelay $0x3  }
0x33: {  	p0 =	seq.s32 s10, $0x1;
	s10 =	sld [smem:$0x3FB2];
	_ =	sdelay $0x3  }
0x34: {  	[smem:$0x3FB2] =	sst s10  }
0x35: {  	s10 =	sld [smem:$0x3FB1];
	_ =	sdelay $0x3  }
0x36: {  	p1 =	seq.s32 s10, $0x1;
	s10 =	sld [smem:$0x3FB2];
	_ =	sdelay $0x3  }
0x37: {  	[smem:$0x3FB2] =	sst s10  }
0x38: {  	s10 =	sld [smem:$0x3FB3]  }
0x39: {  	_ = 	snop;
	(pc) =	sbr.ind lr, $3  }
0x3a: {  	_ = 	snop  }
0x3b: {  	_ = 	snop  }
0x3c: {  	p2 =	seq.s32 s10, $0x1;
	s10 =	sld [smem:$0x3FB2]  }
0x3d: {  	_ =	shalt  }
0x3e: {  	_ =	shalt  }
0x3f: {  	_ =	shalt  }
0x40: {  	_ =	shalt  }
0x41: {  	_ =	shalt  }
0x42: {  	_ =	shalt  }
0x43: {  	_ =	shalt  }
0x44: {  	_ =	shalt  }
0x45: {  	_ =	shalt  }
0x46: {  	_ =	shalt  }
0x47: {  	_ =	shalt  }
0x48: {  	_ =	shalt  }
0x49: {  	_ =	shalt  }
0x4a: {  	_ =	shalt  }
0x4b: {  	_ =	shalt  }
0x4c: {  	_ =	shalt  }
0x4d: {  	_ =	shalt  }
0x4e: {  	_ =	shalt  }
0x4f: {  	_ =	shalt  }
0x50: {  	_ =	shalt  }
0x51: {  	_ =	shalt  }
0x52: {  	_ =	shalt  }
0x53: {  	_ =	shalt  }
0x54: {  	_ =	shalt  }
0x55: {  	_ =	shalt  }
0x56: {  	_ =	shalt  }
0x57: {  	_ =	shalt  }
0x58: {  	_ =	shalt  }
0x59: {  	_ =	shalt  }
0x5a: {  	_ =	shalt  }
0x5b: {  	_ =	shalt  }
0x5c: {  	_ =	shalt  }
0x5d: {  	_ =	shalt  }
0x5e: {  	_ =	shalt  }
0x5f: {  	_ =	shalt  }
0x60: {  	_ =	shalt  }
0x61: {  	_ =	shalt  }
0x62: {  	_ =	shalt  }
0x63: {  	_ =	shalt  }
0x64: {  	_ =	shalt  }
0x65: {  	_ =	shalt  }
0x66: {  	_ =	shalt  }
0x67: {  	_ =	shalt  }
0x68: {  	_ =	shalt  }
0x69: {  	_ =	shalt  }
0x6a: {  	_ =	shalt  }
0x6b: {  	_ =	shalt  }
0x6c: {  	_ =	shalt  }
0x6d: {  	_ =	shalt  }
0x6e: {  	_ =	shalt  }
0x6f: {  	_ =	shalt  }
0x70: {  	_ =	shalt  }
0x71: {  	_ =	shalt  }
0x72: {  	_ =	shalt  }
0x73: {  	_ =	shalt  }
0x74: {  	_ =	shalt  }
0x75: {  	_ =	shalt  }
0x76: {  	_ =	shalt  }
0x77: {  	_ =	shalt  }
0x78: {  	_ =	shalt  }
0x79: {  	_ =	shalt  }
0x7a: {  	_ =	shalt  }
0x7b: {  	_ =	shalt  }
0x7c: {  	_ =	shalt  }
0x7d: {  	_ =	shalt  }
0x7e: {  	_ =	shalt  }
0x7f: {  	_ =	shalt  }
0x80: {  	_ =	shalt  }
0x81: {  	_ =	shalt  }
0x82: {  	_ =	shalt  }
0x83: {  	_ =	shalt  }
0x84: {  	_ =	shalt  }
0x85: {  	_ =	shalt  }
0x86: {  	_ =	shalt  }
0x87: {  	_ =	shalt  }
.Lfunc_end0:
.L_simem_size_0:
called_computation_lowered:
.L_overlay_start_0:
0x88: {  	s2 =	sld [smem:$0x3FD9]  }
0x89: {  	s3 =	sld [smem:$0x3FFE];
	_ =	sdelay $0x1  }
0x8a: {  	s1 =	srdreg.scid  }
0x8b: {  	s0 =	sand.u32 $0x1, s1  }
0x8c: {  	s18 =	sshll.u32 s0, $0xA;
	s2 =	sadd.s32 s3, s2  }
0x8d: {  	s2 =	sadd.s32 s2, s18  }
0x8e: {  	[smem:$0x3FBE] =	sst s2  }
0x8f: {  	_ = 	snop  }
0x90: {  	s2 =	sld [smem:$0x3FC7]  }
0x91: {  	s19 =	sld [smem:$0x3FD0];
	(tm) =	ssettm $0x1  }
0x92: {  	s4 =	sld [smem:$0x3FFB];
	_ =	sdelay $0x3  }
0x93: {  	_ =	strace s4  }
0x94: {  	s4 =	sld [smem:$0x3FFC];
	_ =	sdelay $0x3  }
0x95: {  	_ =	strace s4  }
0x96: {  	s4 =	sld [smem:$0x3FFD];
	_ =	sdelay $0x3  }
0x97: {  	_ =	strace s4  }
0x98: {  	_ =	strace $0x8FFFFFFF  }
0x99: {  	s20 =	sld [smem:$0x3FDB];
	_ =	sdelay $0x1  }
0x9a: {  	s5 =	simm.s32 $_scs_section_size  }
0x9b: {  	s6 =	simm.s32 $_size__tile_overlayer_lowered;
	s7 =	simm.s32 $_tile_overlayer_lowered  }
0x9c: {  	s23 =	simm.s32 $0x1BFF;
	s22 =	sshll.u32 s7, $0x1;
	s4 =	sadd.s32 s5, s20  }
0x9d: {  	s8 =	simm.s32 $0x0;
	s21 =	sshll.u32 s6, $0x1;
	s6 =	sadd.s32 s22, s4  }
0x9e: {  	[timem:s8], [sflag:s23] =	dma.local [hbm:s6], s21  }
0x9f: {  	_ =	swait.ge [sflag:s23], s21  }
0xa0: {  	s5 =	ssub.s32 $0x0, s21;
	[sflag:s23] =	ssyncset.done $0x0  }
0xa1: {  	[sflag:s23] =	ssyncadd.s32 s5;
	_ =	sdelay $0x1  }
0xa2: {  	s24 =	simm.s32 $0x1B8B  }
0xa3: {  	_ =	swait.ge [sflag:s24], $0x1  }
0xa4: {  	[sflag:s24] =	ssyncset.done $0x0  }
0xa5: {  	s25 =	simm.s32 $0x1B8E;
	[sflag:s24] =	ssyncadd.s32 $0xFFFFFFFF  }
0xa6: {  	s26 =	simm.s32 $execute0_lowered;
	[smem:$0x3FD2] =	sst s25  }
0xa7: {  	s5 =	sshll.u32 s26, $0x1;
	_ =	strace $0x80000046;
	[dreg:$0x1] =	wrdreg $0xFFFFFFFF  }
0xa8: {  	s28 =	simm.s32 $_size_execute0_lowered;
	s4 =	sadd.s32 s4, s5;
	[dreg:$0x0] =	wrdreg $0x0  }
0xa9: {  	s5 =	sshll.u32 s28, $0x1;
	[dreg:$0x2] =	wrdreg s4  }
0xaa: {  	[dreg:$0x3] =	wrdreg s5  }
0xab: {  	[dreg:$0x4] =	wrdreg $0xC0  }
0xac: {  	_ =	task [dreg:s8], $0x5FFFF  }
0xad: {  	[dreg:$0x1] =	wrdreg $0xFFFFFFFF  }
0xae: {  	[dreg:$0x0] =	wrdreg $0x60  }
0xaf: {  	[dreg:$0x2] =	wrdreg s2  }
0xb0: {  	[dreg:$0x3] =	wrdreg s19  }
0xb1: {  	[dreg:$0x4] =	wrdreg $0x54800  }
0xb2: {  	[dreg:$0x5] =	wrdreg $0x9  }
0xb3: {  	_ =	task.clear_ibuf [dreg:s8], $0x6FFFF;
	_ =	strace $0x90000046  }
0xb4: {  	s29 =	simm.s32 $0x9;
	_ =	strace $0x80000048  }
0xb5: {  	_ =	swait.ge [sflag:s29], $0x1  }
0xb6: {  	[sflag:s29] =	ssyncadd.s32 $0xFFFFFFFF  }
0xb7: {  	_ =	strace $0x90000048  }
0xb8: {  	_ =	sfence  }
0xb9: {  	s30 =	sld [smem:$0x0];
	_ =	sdelay $0x2  }
0xba: {  	s31 =	sshll.u32 s1, $0xD;
	s1 =	sshrl.u32 s1, $0x2  }
0xbb: {  	s3 =	sand.u32 $0x4000, s31;
	s1 =	sadd.s32 s1, s30  }
0xbc: {  	s0 =	sor.u32 s3, s0;
	s1 =	sshll.u32 s1, $0x11  }
0xbd: {  	s0 =	sor.u32 s1, s0  }
0xbe: {  	s0 =	sadd.s32 $0x8F2B, s0  }
0xbf: {  	[sflag:s0] =	ssyncadd.remote.s32 $0x1  }
0xc0: {  	_ =	sfence.sel $0xFFFF  }
0xc1: {  	[dreg:$0x0] =	wrdreg $0xFFFFFFFF;
	(pc) =	sbr.abs _section_cstart, $3  }
0xc2: {  	[dreg:$0x1] =	wrdreg $0xFFFFFFFF  }
0xc3: {  	_ =	task.clear_ibuf [dreg:s8], $0x2FFFF;
	_ =	strace $0x9FFFFFFF  }
0xc4: {  	(tm) =	ssettm $0x7FFFFFFF  }
0xc5: {  	_ =	shalt  }
tec
execute0_lowered:
.L_overlay_start_1:
0x0: {  	(tag) =	ssettag $0x1  }
0x1: {  	s1 =	srdreg.scid;
	s3 =	rddreg [dreg:$0x0]  }
0x2: {  	s0 =	stileid.u32;
	s6 =	rddreg [dreg:$0x1]  }
0x3: {  	s5 =	rddreg [dreg:$0x2];
	s2 =	simm.s32 $0x0;
	s13 =	simm.s32 $0x5200  }
0x4: {  	s14 =	simm.s32 $0x0;
	s4 =	sand.u32 $0x1, s1;
	s10 =	smul.u32 $0x280, s0  }
0x5: {  	s26 =	sshll.u32 s0, $0x1;
	s8 =	sshrl.u32 s0, $0x3;
	s12 =	smul.u32 $0x5000, s0  }
0x6: {  	[smem:$0x7FF] =	sst s2;
	s28 =	sshll.u32 s0, $0x7;
	s8 =	smul.u32 $0x50000, s8  }
0x7: {  	s1 =	sor.u32 s4, s26;
	s9 =	ssub.s32 $0x2, s4;
	s4 =	smul.u32 $0x2800, s4  }
0x8: {  	s29 =	sand.u32 $0x380, s28;
	s7 =	smul.u32 $0x4E2, s1;
	s1 =	rddreg [dreg:$0x3]  }
0x9: {  	_ =	strace $0x80000047;
	s11 =	sshrl.u32 s9, $0x1;
	s30 =	sshrl.u32 s12, $0x2  }
0xa: {  	s12 =	simm.s32 $0x4F80;
	s9 =	ssub.s32 s9, s11;
	s8 =	sshrl.u32 s8, $0x2  }
0xb: {  	s10 =	sadd.s32 s10, s4;
	s11 =	simm.s32 $0x400;
	s3 =	sadd.s32 s3, s7  }
0xc: {  	s8 =	sadd.s32 s8, s5;
	s5 =	sadd.s32 s30, s5;
	s31 =	sshrl.u32 s10, $0x3  }
0xd: {  	s7 =	smax.u32 s9, $0x1;
	s9 =	simm.s32 $0x2780;
	s10 =	simm.s32 $0x80  }
0xe: {  	v0 =	vimm.f32 $0.0e+00;
	v1 =	vimm.f32 $1.000000000e+00;
	s4 =	sadd.s32 s29, s8;
	s6 =	sadd.s32 s6, s31;
	s8 =	simm.s32 $0x1  }
.LBB2_1:
0xf: {  	s15 =	simm.s32 $0x40;
	s16 =	simm.s32 $0x0  }
.LBB2_2:
0x10: {  	p0 =	sne.s32 s15, $0x9FC0;
	[tilespmem:s16+$0x2780] =	vst v0;
	s16 =	smov.u32 s15;
	s15 =	sadd.s32 $0x40, s15  }
.Ltmp0:
0x11: {  	(pc) =	sbr.rel @p0 .LBB2_2-.Ltmp0, $2  }
0x12: {  	_ =	sdelay $0x2  }
0x13: {  	s16 =	sshra.s32 s16, $0x2  }
0x14: {  	[tilespmem:s16+$0x2780] =	vst v0;
	s15 =	simm.s32 $0x0  }
0x15: {  	[tilespmem:s15], [sflag:$0x1] =	stream.linear.gather [hbm4b:s3+s15], $0x2710, $0x38;
	[tilespmem:$0x7C80] =	vst v63  }
0x16: {  	_ =	swait.ge [sflag:s8], $0x2710  }
0x17: {  	[sflag:s8] =	ssyncset.done $0x0  }
0x18: {  	s16 =	simm.s32 $0x0;
	s15 =	simm.s32 $0x40;
	[sflag:s8] =	ssyncadd.s32 $0xFFFFD8F0  }
.LBB2_4:
0x19: {  	p0 =	sne.s32 s15, $0x9C00;
	v2 =	vld [tilespmem:s16+$0x0];
	_ =	sdelay $0x3  }
.Ltmp1:
0x1a: {  	(pc) =	sbr.rel @p0 .LBB2_4-.Ltmp1, $2  }
0x1b: {  	_ =	sdelay $0x2  }
0x1c: {  	s16 =	sshra.s32 s15, $0x2;
	s15 =	sadd.s32 $0x40, s15;
	[tilespmem:v2+s9+$0x0] =	vst.idx.add.f32.msk $0xffff, v1  }
0x1d: {  	v2 =	vld [tilespmem:s16+$0x0];
	_ =	sdelay $0x7  }
0x1e: {  	s15 =	simm.s32 $0x1;
	[tilespmem:v2+s9+$0x0] =	vst.idx.add.f32.msk $0xffff, v1  }
0x1f: {  	[spmem:s4] =	stream.strided.scatter [tilespmem:s9], [sflag:$0x1], $0x2800, s11, s10, $0x38;
	[tilespmem:$0x7C80] =	vst v63  }
0x20: {  	_ =	swait.ge [sflag:s15], $0x2800  }
0x21: {  	[sflag:s15] =	ssyncset.done $0x0  }
0x22: {  	[sflag:s15] =	ssyncadd.s32 $0xFFFFD800  }
0x23: {  	[bflag:$0x0] =	sbarrier.arrive $0xFFFF  }
0x24: {  	[tilespmem:s12], [sflag:$0x1] =	stream.strided.gather [spmem:s5], $0x280, s11, s10, $0x38;
	[tilespmem:$0x7C80] =	vst v63  }
0x25: {  	_ =	swait.ge [sflag:s15], $0x280  }
0x26: {  	[sflag:s15] =	ssyncset.done $0x0  }
0x27: {  	[sflag:s15] =	ssyncadd.s32 $0xFFFFFD80  }
.LBB2_6:
0x28: {  	s16 =	sshrl.u32 s15, $0x3  }
0x29: {  	s16 =	smul.u32 $0x50000, s16;
	_ =	sdelay $0x1  }
0x2a: {  	s17 =	sshll.u32 s15, $0x7;
	s16 =	sshra.s32 s16, $0x2  }
0x2b: {  	s17 =	sand.u32 $0x380, s17;
	s16 =	sadd.s32 s16, s5  }
0x2c: {  	s16 =	sadd.s32 s17, s16  }
0x2d: {  	[tilespmem:s13], [sflag:$0x1] =	stream.strided.gather [spmem:s16], $0x280, s11, s10, $0x38;
	[tilespmem:$0x7C80] =	vst v63  }
0x2e: {  	_ =	swait.ge [sflag:s8], $0x280  }
0x2f: {  	[sflag:s8] =	ssyncset.done $0x0  }
0x30: {  	s16 =	simm.s32 $0x0;
	[sflag:s8] =	ssyncadd.s32 $0xFFFFFD80  }
0x31: {  	s17 =	simm.s32 $0x40;
	v2 =	vld [tilespmem:s16+$0x5200]  }
.LBB2_7:
0x32: {  	p0 =	sne.s32 s17, $0x9C0;
	v3 =	vld [tilespmem:s16+$0x4F80];
	_ =	sdelay $0x2  }
.Ltmp2:
0x33: {  	(pc) =	sbr.rel @p0 .LBB2_7-.Ltmp2, $4  }
0x34: {  	_ = 	snop  }
0x35: {  	v3 =	vadd.f32 v2, v3  }
0x36: {  	s18 =	sshra.s32 s17, $0x2  }
0x37: {  	s17 =	sadd.s32 $0x40, s17;
	v2 =	vld [tilespmem:s18+$0x5200];
	[tilespmem:s16+$0x4F80] =	vst v3;
	s16 =	smov.u32 s18  }
0x38: {  	v3 =	vld [tilespmem:s16+$0x4F80]  }
0x39: {  	s15 =	sadd.s32 $0x1, s15  }
0x3a: {  	p0 =	sne.s32 s15, $0x10  }
.Ltmp3:
0x3b: {  	_ = 	snop;
	(pc) =	sbr.rel @p0 .LBB2_6-.Ltmp3, $3  }
0x3c: {  	_ = 	snop  }
0x3d: {  	v2 =	vadd.f32 v2, v3;
	_ =	sdelay $0x1  }
0x3e: {  	[tilespmem:s16+$0x4F80] =	vst v2  }
0x3f: {  	s14 =	sadd.s32 $0x1, s14  }
0x40: {  	p0 =	sne.s32 s14, s7  }
.Ltmp4:
0x41: {  	_ = 	snop;
	(pc) =	sbr.rel @p0 .LBB2_1-.Ltmp4, $4  }
0x42: {  	[hbm4b:s6+s2] =	stream.linear.scatter [tilespmem:s12], [sflag:$0x1], $0x280, $0x38;
	[tilespmem:$0x7C80] =	vst v63  }
0x43: {  	_ =	swait.ge [sflag:s8], $0x280  }
0x44: {  	[sflag:s8] =	ssyncset.done $0x0  }
0x45: {  	[sflag:s8] =	ssyncadd.s32 $0xFFFFFD80  }
0x46: {  	_ =	sfence.sel $0x180000  }
0x47: {  	[bflag:$0x0] =	sbarrier.arrive $0xFFFF  }
0x48: {  	p0 =	sne.s32 s0, $0x0;
	_ =	strace $0x90000047  }
0x49: {  	s0 =	sadd.s32 @!p0 $0x100000, s1;
	[bflag:$0x2] =	sbarrier.arrive $0xFFFF  }
0x4a: {  	[sflag:s0] =	ssyncadd.tile.s32 @!p0 $0x1;
	_ =	shalt  }
.Lfunc_end2:
_tile_overlayer_lowered:
.L_overlay_start_2:
0x4b: {  	(tag) =	ssettag $0x2  }
0x4c: {  	s0 =	rddreg [dreg:$0x0];
	s2 =	stileid.u32  }
0x4d: {  	s1 =	rddreg [dreg:$0x1];
	p0 =	sne.s32 s2, $0x0  }
0x4e: {  	s3 =	rddreg [dreg:$0x2];
	[bflag:$0x3] =	sbarrier.arrive $0xFFFF;
	s2 =	simm.s32 @!p0 $0x1C01  }
0x4f: {  	[timem:s3], [sflag:s2] =	dma.local @!p0 [hbm:s0], s1  }
0x50: {  	s0 =	simm.s32 @!p0 $0x1  }
0x51: {  	_ =	swait.ge @!p0 [sflag:s0], s1  }
0x52: {  	s1 =	ssub.s32 @!p0 $0x0, s1;
	[sflag:s0] =	ssyncset.done @!p0 $0x0  }
0x53: {  	[sflag:s0] =	ssyncadd.s32 @!p0 s1  }
0x54: {  	[bflag:$0x3] =	sbarrier.arrive $0xFFFF  }
0x55: {  	_ =	shalt  }

// kernel: kernel.9.cloned.1.call-start
scs
__scs_entry_jumppad:
0x0: {  	(pc) =	sbr.rel $0x88, $3  }
0x1: {  	(tag) =	ssettag $0x0;
	lr =	simm.s32 $0x1  }
0x2: {  	[smem:$0x3F97] =	sst lr;
	_ =	strace $0xD0000000  }
0x3: {  	_ = 	snop  }
0x4: {  	_ = 	snop  }
0x5: {  	_ = 	snop  }
0x6: {  	_ = 	snop  }
0x7: {  	_ = 	snop  }
__scs_overlays_trampoline_lowered:
0x8: {  	[smem:$0x3FA6] =	sst s0  }
0x9: {  	[smem:$0x3FA7] =	sst s1  }
0xa: {  	[smem:$0x3FA8] =	sst s2  }
0xb: {  	[smem:$0x3FA9] =	sst s3  }
0xc: {  	[smem:$0x3FAA] =	sst s4  }
0xd: {  	[smem:$0x3FAB] =	sst s5  }
0xe: {  	[smem:$0x3FAC] =	sst s6  }
0xf: {  	[smem:$0x3FAD] =	sst s7  }
0x10: {  	[smem:$0x3FAE] =	sst s8  }
0x11: {  	[smem:$0x3FAF] =	sst s9;
	s0 =	simm.s32 @!p0 $0x0  }
0x12: {  	s1 =	sld [smem:$0x3F95];
	s0 =	simm.s32 @p0 $0x1  }
0x13: {  	[smem:$0x3FB0] =	sst s0;
	s0 =	simm.s32 @!p1 $0x0  }
0x14: {  	s2 =	sld [smem:$0x3F94];
	s0 =	simm.s32 @p1 $0x1  }
0x15: {  	[smem:$0x3FB1] =	sst s0;
	s0 =	simm.s32 @!p2 $0x0  }
0x16: {  	s3 =	sld [smem:$0x3FDB];
	s0 =	simm.s32 @p2 $0x1  }
0x17: {  	s4 =	simm.s32 $0x1BF5;
	[smem:$0x3FB3] =	sst s0  }
0x18: {  	s0 =	sld [smem:$0x3F96];
	_ =	swait.ge [sflag:s4], $0x0  }
0x19: {  	s7 =	sld [smem:$0x3F97]  }
0x1a: {  	s8 =	sadd.s32 $0xFFFFE003, lr  }
0x1b: {  	s9 =	sadd.s32 $0xFFFFFEF7, lr;
	s5 =	simm.s32 $0xFFFFFFFF;
	p2 =	slt.u32 s8, $0xFFFFF086  }
0x1c: {  	p1 =	slt.u32 s9, $0xF7A;
	s5 =	simm.s32 @!p2 $0x0  }
0x1d: {  	s5 =	simm.s32 @p1 $0x1;
	p0 =	seq.s32 s7, s2  }
0x1e: {  	s7 =	smul.u32 @!p0 $0xF7A, s2;
	p2 =	seq.s32 @!p0 s5, $0x0  }
0x1f: {  	s9 =	smul.u32 $0xF7A, s1;
	s8 =	simm.s32 @!p0 $0x1BF5;
	p2 =	por !p2, p0  }
0x20: {  	[sflag:s8] =	ssyncset.s32 @!p0 $0xFFFFF086;
	s6 =	sadd.s32 @!p0 s3, s7;
	s7 =	simm.s32 @!p0 $0x108  }
0x21: {  	s3 =	sadd.s32 s3, s9;
	s6 =	sadd.s32 @!p0 $0x88, s6;
	s7 =	simm.s32 @p2 $0x1082  }
0x22: {  	[simem:s7], [sflag:s8] =	dma.local @!p0 [hbm:s6], $0xF7A  }
0x23: {  	s9 =	sor.u32 $0xD0000000, s2;
	s6 =	simm.s32 $0x108;
	_ =	swait.ge @!p0 [sflag:s8], $0x0  }
0x24: {  	s3 =	sadd.s32 $0x88, s3;
	s6 =	simm.s32 @!p1 $0x1082;
	[sflag:s4] =	ssyncset.s32 $0xFFFFF086  }
0x25: {  	[simem:s6], [sflag:s4] =	dma.local [hbm:s3], $0xF7A  }
0x26: {  	[smem:$0x3F97] =	sst s1;
	(tag) =	ssettag s2;
	_ =	strace s9  }
0x27: {  	s1 =	sld [smem:$0x3FA7]  }
0x28: {  	s2 =	sld [smem:$0x3FA8]  }
0x29: {  	s4 =	sld [smem:$0x3FAA]  }
0x2a: {  	p0 =	seq.s32 s5, $0x0;
	s5 =	sld [smem:$0x3FAB]  }
0x2b: {  	s6 =	sld [smem:$0x3FAC]  }
0x2c: {  	s7 =	sld [smem:$0x3FAD]  }
0x2d: {  	s3 =	simm.s32 $0x108;
	s8 =	sld [smem:$0x3FAE]  }
0x2e: {  	s3 =	simm.s32 @!p0 $0x1082;
	s9 =	sld [smem:$0x3FAF]  }
0x2f: {  	lr =	sadd.s32 s0, s3;
	s0 =	sld [smem:$0x3FA6]  }
0x30: {  	s3 =	sld [smem:$0x3FA9]  }
0x31: {  	[smem:$0x3FB2] =	sst s10  }
0x32: {  	s10 =	sld [smem:$0x3FB0];
	_ =	sdelay $0x3  }
0x33: {  	p0 =	seq.s32 s10, $0x1;
	s10 =	sld [smem:$0x3FB2];
	_ =	sdelay $0x3  }
0x34: {  	[smem:$0x3FB2] =	sst s10  }
0x35: {  	s10 =	sld [smem:$0x3FB1];
	_ =	sdelay $0x3  }
0x36: {  	p1 =	seq.s32 s10, $0x1;
	s10 =	sld [smem:$0x3FB2];
	_ =	sdelay $0x3  }
0x37: {  	[smem:$0x3FB2] =	sst s10  }
0x38: {  	s10 =	sld [smem:$0x3FB3]  }
0x39: {  	_ = 	snop;
	(pc) =	sbr.ind lr, $3  }
0x3a: {  	_ = 	snop  }
0x3b: {  	_ = 	snop  }
0x3c: {  	p2 =	seq.s32 s10, $0x1;
	s10 =	sld [smem:$0x3FB2]  }
0x3d: {  	_ =	shalt  }
0x3e: {  	_ =	shalt  }
0x3f: {  	_ =	shalt  }
0x40: {  	_ =	shalt  }
0x41: {  	_ =	shalt  }
0x42: {  	_ =	shalt  }
0x43: {  	_ =	shalt  }
0x44: {  	_ =	shalt  }
0x45: {  	_ =	shalt  }
0x46: {  	_ =	shalt  }
0x47: {  	_ =	shalt  }
0x48: {  	_ =	shalt  }
0x49: {  	_ =	shalt  }
0x4a: {  	_ =	shalt  }
0x4b: {  	_ =	shalt  }
0x4c: {  	_ =	shalt  }
0x4d: {  	_ =	shalt  }
0x4e: {  	_ =	shalt  }
0x4f: {  	_ =	shalt  }
0x50: {  	_ =	shalt  }
0x51: {  	_ =	shalt  }
0x52: {  	_ =	shalt  }
0x53: {  	_ =	shalt  }
0x54: {  	_ =	shalt  }
0x55: {  	_ =	shalt  }
0x56: {  	_ =	shalt  }
0x57: {  	_ =	shalt  }
0x58: {  	_ =	shalt  }
0x59: {  	_ =	shalt  }
0x5a: {  	_ =	shalt  }
0x5b: {  	_ =	shalt  }
0x5c: {  	_ =	shalt  }
0x5d: {  	_ =	shalt  }
0x5e: {  	_ =	shalt  }
0x5f: {  	_ =	shalt  }
0x60: {  	_ =	shalt  }
0x61: {  	_ =	shalt  }
0x62: {  	_ =	shalt  }
0x63: {  	_ =	shalt  }
0x64: {  	_ =	shalt  }
0x65: {  	_ =	shalt  }
0x66: {  	_ =	shalt  }
0x67: {  	_ =	shalt  }
0x68: {  	_ =	shalt  }
0x69: {  	_ =	shalt  }
0x6a: {  	_ =	shalt  }
0x6b: {  	_ =	shalt  }
0x6c: {  	_ =	shalt  }
0x6d: {  	_ =	shalt  }
0x6e: {  	_ =	shalt  }
0x6f: {  	_ =	shalt  }
0x70: {  	_ =	shalt  }
0x71: {  	_ =	shalt  }
0x72: {  	_ =	shalt  }
0x73: {  	_ =	shalt  }
0x74: {  	_ =	shalt  }
0x75: {  	_ =	shalt  }
0x76: {  	_ =	shalt  }
0x77: {  	_ =	shalt  }
0x78: {  	_ =	shalt  }
0x79: {  	_ =	shalt  }
0x7a: {  	_ =	shalt  }
0x7b: {  	_ =	shalt  }
0x7c: {  	_ =	shalt  }
0x7d: {  	_ =	shalt  }
0x7e: {  	_ =	shalt  }
0x7f: {  	_ =	shalt  }
0x80: {  	_ =	shalt  }
0x81: {  	_ =	shalt  }
0x82: {  	_ =	shalt  }
0x83: {  	_ =	shalt  }
0x84: {  	_ =	shalt  }
0x85: {  	_ =	shalt  }
0x86: {  	_ =	shalt  }
0x87: {  	_ =	shalt  }
.Lfunc_end0:
.L_simem_size_0:
called_computation.1_lowered:
.L_overlay_start_0:
0x88: {  	s2 =	sld [smem:$0x3FD9]  }
0x89: {  	s3 =	sld [smem:$0x3FFE];
	_ =	sdelay $0x1  }
0x8a: {  	s1 =	srdreg.scid  }
0x8b: {  	s0 =	sand.u32 $0x1, s1  }
0x8c: {  	s17 =	sshll.u32 s0, $0xA;
	s2 =	sadd.s32 s3, s2  }
0x8d: {  	s2 =	sadd.s32 s2, s17  }
0x8e: {  	[smem:$0x3FBE] =	sst s2  }
0x8f: {  	_ = 	snop  }
0x90: {  	s2 =	sld [smem:$0x3FC8]  }
0x91: {  	s18 =	sld [smem:$0x3FC7];
	(tm) =	ssettm $0x1  }
0x92: {  	s4 =	sld [smem:$0x3FFB];
	_ =	sdelay $0x3  }
0x93: {  	_ =	strace s4  }
0x94: {  	s4 =	sld [smem:$0x3FFC];
	_ =	sdelay $0x3  }
0x95: {  	_ =	strace s4  }
0x96: {  	s4 =	sld [smem:$0x3FFD];
	_ =	sdelay $0x3  }
0x97: {  	_ =	strace s4  }
0x98: {  	_ =	strace $0x8FFFFFFF  }
0x99: {  	s19 =	sld [smem:$0x3FDB];
	_ =	sdelay $0x1  }
0x9a: {  	s5 =	simm.s32 $_scs_section_size  }
0x9b: {  	s6 =	simm.s32 $_size__tile_overlayer_lowered;
	s7 =	simm.s32 $_tile_overlayer_lowered  }
0x9c: {  	s22 =	simm.s32 $0x1BFF;
	s21 =	sshll.u32 s7, $0x1;
	s4 =	sadd.s32 s5, s19  }
0x9d: {  	s8 =	simm.s32 $0x0;
	s20 =	sshll.u32 s6, $0x1;
	s6 =	sadd.s32 s21, s4  }
0x9e: {  	[timem:s8], [sflag:s22] =	dma.local [hbm:s6], s20  }
0x9f: {  	_ =	swait.ge [sflag:s22], s20  }
0xa0: {  	s5 =	ssub.s32 $0x0, s20;
	[sflag:s22] =	ssyncset.done $0x0  }
0xa1: {  	[sflag:s22] =	ssyncadd.s32 s5;
	_ =	sdelay $0x1  }
0xa2: {  	s23 =	simm.s32 $0x1B8B  }
0xa3: {  	_ =	swait.ge [sflag:s23], $0x1  }
0xa4: {  	[sflag:s23] =	ssyncset.done $0x0  }
0xa5: {  	s25 =	simm.s32 $0x1B8E;
	s24 =	sld [smem:$0x3FFE];
	[sflag:s23] =	ssyncadd.s32 $0xFFFFFFFF  }
0xa6: {  	s26 =	simm.s32 $execute0_lowered;
	[smem:$0x3FD2] =	sst s25  }
0xa7: {  	s6 =	sshll.u32 s26, $0x1;
	_ =	strace $0x80000049;
	[dreg:$0x1] =	wrdreg $0xFFFFFFFF  }
0xa8: {  	s28 =	simm.s32 $_size_execute0_lowered;
	s4 =	sadd.s32 s4, s6;
	[dreg:$0x0] =	wrdreg $0x0  }
0xa9: {  	s6 =	sshll.u32 s28, $0x1;
	[dreg:$0x2] =	wrdreg s4  }
0xaa: {  	[dreg:$0x3] =	wrdreg s6  }
0xab: {  	[dreg:$0x4] =	wrdreg $0xC0  }
0xac: {  	_ =	task [dreg:s8], $0x5FFFF  }
0xad: {  	[dreg:$0x1] =	wrdreg $0xFFFFFFFF  }
0xae: {  	[dreg:$0x0] =	wrdreg $0x60  }
0xaf: {  	[dreg:$0x2] =	wrdreg s24  }
0xb0: {  	[dreg:$0x3] =	wrdreg s2  }
0xb1: {  	[dreg:$0x4] =	wrdreg s18  }
0xb2: {  	[dreg:$0x5] =	wrdreg $0x29000  }
0xb3: {  	[dreg:$0x6] =	wrdreg $0x9  }
0xb4: {  	_ =	task.clear_ibuf [dreg:s8], $0x7FFFF;
	_ =	strace $0x90000049  }
0xb5: {  	s29 =	simm.s32 $0x9;
	_ =	strace $0x8000004B  }
0xb6: {  	_ =	swait.ge [sflag:s29], $0x1  }
0xb7: {  	[sflag:s29] =	ssyncadd.s32 $0xFFFFFFFF  }
0xb8: {  	_ =	strace $0x9000004B  }
0xb9: {  	_ =	sfence  }
0xba: {  	s30 =	sld [smem:$0x0];
	_ =	sdelay $0x2  }
0xbb: {  	s31 =	sshll.u32 s1, $0xD;
	s1 =	sshrl.u32 s1, $0x2  }
0xbc: {  	s3 =	sand.u32 $0x4000, s31;
	s1 =	sadd.s32 s1, s30  }
0xbd: {  	s0 =	sor.u32 s3, s0;
	s1 =	sshll.u32 s1, $0x11  }
0xbe: {  	s0 =	sor.u32 s1, s0  }
0xbf: {  	s0 =	sadd.s32 $0x8F2B, s0  }
0xc0: {  	[sflag:s0] =	ssyncadd.remote.s32 $0x1  }
0xc1: {  	_ =	sfence.sel $0xFFFF  }
0xc2: {  	[dreg:$0x0] =	wrdreg $0xFFFFFFFF;
	(pc) =	sbr.abs _section_cstart, $3  }
0xc3: {  	[dreg:$0x1] =	wrdreg $0xFFFFFFFF  }
0xc4: {  	_ =	task.clear_ibuf [dreg:s8], $0x2FFFF;
	_ =	strace $0x9FFFFFFF  }
0xc5: {  	(tm) =	ssettm $0x7FFFFFFF  }
tec
execute0_lowered:
.L_overlay_start_1:
0x0: {  	(tag) =	ssettag $0x1  }
0x1: {  	s5 =	rddreg [dreg:$0x0]  }
0x2: {  	s10 =	rddreg [dreg:$0x1]  }
0x3: {  	s9 =	rddreg [dreg:$0x2]  }
0x4: {  	s2 =	rddreg [dreg:$0x3]  }
0x5: {  	s0 =	rddreg [dreg:$0x4]  }
0x6: {  	s1 =	stileid.u32;
	s4 =	srdreg.scid;
	s3 =	simm.s32 $0x0  }
0x7: {  	s16 =	simm.s32 $0x1;
	s17 =	simm.s32 $0x0;
	s6 =	smul.u32 $0x2800, s1  }
0x8: {  	s7 =	sand.u32 $0x1, s4;
	[smem:$0x7FF] =	sst s3;
	s26 =	smul.u32 $0x50000, s1  }
0x9: {  	s4 =	sadd.s32 $0x52200, s5;
	s13 =	smul.u32 $0x4E20, s1;
	s30 =	sshll.u32 s1, $0x6  }
0xa: {  	s8 =	smul.u32 $0x28000, s7;
	_ =	strace $0x8000004A;
	s28 =	ssub.s32 $0x2, s7  }
0xb: {  	s7 =	smul.u32 $0x2710, s7;
	s11 =	sadd.s32 s6, s5;
	s29 =	sshrl.u32 s28, $0x1  }
0xc: {  	s6 =	sadd.s32 s6, s8;
	s8 =	sshrl.u32 s26, $0x2;
	s14 =	ssub.s32 s28, s29  }
0xd: {  	s31 =	sadd.s32 s7, s13;
	s13 =	simm.s32 $0x80;
	s12 =	sadd.s32 s6, s5  }
0xe: {  	s15 =	sadd.s32 s8, s2;
	s5 =	sadd.s32 $0x7A200, s11;
	s6 =	sor.u32 $0x1C02, s30  }
0xf: {  	s8 =	smax.u32 s14, $0x1;
	s11 =	sshrl.u32 s31, $0x3;
	s14 =	simm.s32 $0x50  }
0x10: {  	s7 =	sadd.s32 $0xA2200, s12;
	s9 =	sadd.s32 s11, s9;
	s10 =	sadd.s32 s11, s10  }
0x11: {  	s11 =	sshrl.u32 s15, $0x3;
	s12 =	simm.s32 $0x2;
	s15 =	simm.s32 $0x100  }
.LBB2_1:
0x12: {  	[spmem:s11], [sflag:s6] =	dma.local [hbm:s5], $0x2800  }
0x13: {  	_ =	swait.ge [sflag:s12], $0x2800  }
0x14: {  	[sflag:s12] =	ssyncset.done $0x0  }
0x15: {  	[sflag:s12] =	ssyncadd.s32 $0xFFFFD800  }
0x16: {  	s18 =	sadd.s32 $0x0, s10;
	[bflag:$0x0] =	sbarrier.arrive $0xFFFF  }
0x17: {  	[tilespmem:s3], [sflag:$0x2] =	stream.linear.gather [hbm4b:s18+s3], $0x50, $0x38;
	[tilespmem:$0x16900] =	vst v63  }
0x18: {  	_ =	swait.ge [sflag:s12], $0x50  }
0x19: {  	[sflag:s12] =	ssyncset.done $0x0  }
0x1a: {  	s31 =	sadd.s32 $0x0, s9;
	[sflag:s12] =	ssyncadd.s32 $0xFFFFFFB0  }
0x1b: {  	[tilespmem:s13], [sflag:$0x2] =	stream.linear.gather [hbm4b:s31+s3], $0x50, $0x38;
	[tilespmem:$0x16900] =	vst v63  }
0x1c: {  	_ =	swait.ge [sflag:s12], $0x50  }
0x1d: {  	[sflag:s12] =	ssyncset.done $0x0  }
0x1e: {  	[sflag:s12] =	ssyncadd.s32 $0xFFFFFFB0  }
0x1f: {  	[tilespmem:s15], [sflag:$0x1] =	stream.indirect.gather [hbm4b:s4+s14], $0x80, s3, s14, $0xb8;
	[tilespmem:$0x16900] =	vst v63  }
0x20: {  	_ =	swait.ge [sflag:s16], $0x2800  }
0x21: {  	[sflag:s16] =	ssyncset.done $0x0  }
0x22: {  	[sflag:s16] =	ssyncadd.s32 $0xFFFFD800  }
0x23: {  	[spmem:s2] =	stream.indirect.scatter.add.f32 [tilespmem:s15], [sflag:$0x2], $0x80, s13, s14, $0xb8;
	[tilespmem:$0x16900] =	vst v63  }
0x24: {  	_ =	swait.ge [sflag:s12], $0x2800  }
0x25: {  	s19 =	simm.s32 $0x14;
	s18 =	simm.s32 $0xA;
	[sflag:s12] =	ssyncset.done $0x0  }
.LBB2_2:
0x26: {  	s20 =	sadd.s32 s18, s10  }
0x27: {  	[sflag:s12] =	ssyncadd.s32 $0xFFFFD800;
	s21 =	smov.u32 s19;
	s22 =	sadd.s32 $0xA, s19  }
0x28: {  	[tilespmem:s3], [sflag:$0x2] =	stream.linear.gather [hbm4b:s20+s3], $0x50, $0x38;
	[tilespmem:$0x16900] =	vst v63  }
0x29: {  	p0 =	sne.s32 s19, $0x4D8;
	_ =	swait.ge [sflag:s12], $0x50  }
0x2a: {  	[sflag:s12] =	ssyncset.done $0x0  }
0x2b: {  	s19 =	sadd.s32 s18, s9;
	s18 =	smov.u32 s21;
	[sflag:s12] =	ssyncadd.s32 $0xFFFFFFB0  }
0x2c: {  	[tilespmem:s13], [sflag:$0x2] =	stream.linear.gather [hbm4b:s19+s3], $0x50, $0x38;
	[tilespmem:$0x16900] =	vst v63  }
0x2d: {  	_ =	swait.ge [sflag:s12], $0x50  }
0x2e: {  	[sflag:s12] =	ssyncset.done $0x0  }
0x2f: {  	[sflag:s12] =	ssyncadd.s32 $0xFFFFFFB0  }
0x30: {  	[tilespmem:s15], [sflag:$0x1] =	stream.indirect.gather [hbm4b:s4+s14], $0x80, s3, s14, $0xb8;
	[tilespmem:$0x16900] =	vst v63  }
0x31: {  	_ =	swait.ge [sflag:s16], $0x2800  }
.Ltmp0:
0x32: {  	[sflag:s16] =	ssyncset.done $0x0;
	(pc) =	sbr.rel @p0 .LBB2_2-.Ltmp0, $4  }
0x33: {  	[sflag:s16] =	ssyncadd.s32 $0xFFFFD800  }
0x34: {  	[spmem:s2] =	stream.indirect.scatter.add.f32 [tilespmem:s15], [sflag:$0x2], $0x80, s13, s14, $0xb8;
	[tilespmem:$0x16900] =	vst v63  }
0x35: {  	_ =	swait.ge [sflag:s12], $0x2800  }
0x36: {  	s19 =	smov.u32 s22;
	[sflag:s12] =	ssyncset.done $0x0  }
0x37: {  	s19 =	sadd.s32 s18, s10;
	[sflag:s12] =	ssyncadd.s32 $0xFFFFD800  }
0x38: {  	[tilespmem:s3], [sflag:$0x2] =	stream.linear.gather [hbm4b:s19+s3], $0x50, $0x38;
	[tilespmem:$0x16900] =	vst v63  }
0x39: {  	_ =	swait.ge [sflag:s12], $0x50  }
0x3a: {  	[sflag:s12] =	ssyncset.done $0x0  }
0x3b: {  	s31 =	sadd.s32 s18, s9;
	[sflag:s12] =	ssyncadd.s32 $0xFFFFFFB0  }
0x3c: {  	[tilespmem:s13], [sflag:$0x2] =	stream.linear.gather [hbm4b:s31+s3], $0x50, $0x38;
	[tilespmem:$0x16900] =	vst v63  }
0x3d: {  	_ =	swait.ge [sflag:s12], $0x50  }
0x3e: {  	[sflag:s12] =	ssyncset.done $0x0  }
0x3f: {  	[sflag:s12] =	ssyncadd.s32 $0xFFFFFFB0  }
0x40: {  	[tilespmem:s15], [sflag:$0x1] =	stream.indirect.gather [hbm4b:s4+s14], $0x80, s3, s14, $0xb8;
	[tilespmem:$0x16900] =	vst v63  }
0x41: {  	_ =	swait.ge [sflag:s16], $0x2800  }
0x42: {  	[sflag:s16] =	ssyncset.done $0x0  }
0x43: {  	[sflag:s16] =	ssyncadd.s32 $0xFFFFD800  }
0x44: {  	[spmem:s2] =	stream.indirect.scatter.add.f32 [tilespmem:s15], [sflag:$0x2], $0x80, s13, s14, $0xb8;
	[tilespmem:$0x16900] =	vst v63  }
0x45: {  	_ =	swait.ge [sflag:s12], $0x2800  }
0x46: {  	s17 =	sadd.s32 $0x1, s17;
	[sflag:s12] =	ssyncset.done $0x0  }
0x47: {  	p0 =	sne.s32 s17, s8;
	[sflag:s12] =	ssyncadd.s32 $0xFFFFD800  }
.Ltmp1:
0x48: {  	[bflag:$0x0] =	sbarrier.arrive $0xFFFF;
	(pc) =	sbr.rel @p0 .LBB2_1-.Ltmp1, $4  }
0x49: {  	[hbm:s7], [sflag:s6] =	dma.local [spmem:s11], $0x2800  }
0x4a: {  	_ =	swait.ge [sflag:s12], $0x2800  }
0x4b: {  	[sflag:s12] =	ssyncset.done $0x0  }
0x4c: {  	[sflag:s12] =	ssyncadd.s32 $0xFFFFD800  }
0x4d: {  	_ =	sfence.sel $0x180000  }
0x4e: {  	[bflag:$0x0] =	sbarrier.arrive $0xFFFF  }
0x4f: {  	p0 =	sne.s32 s1, $0x0;
	_ =	strace $0x9000004A  }
0x50: {  	s0 =	sadd.s32 @!p0 $0x100000, s0;
	[bflag:$0x2] =	sbarrier.arrive $0xFFFF  }
0x51: {  	[sflag:s0] =	ssyncadd.tile.s32 @!p0 $0x1;
	_ =	shalt  }
.Lfunc_end2:
_tile_overlayer_lowered:
.L_overlay_start_2:
0x52: {  	(tag) =	ssettag $0x2  }
0x53: {  	s0 =	rddreg [dreg:$0x0];
	s2 =	stileid.u32  }
0x54: {  	s1 =	rddreg [dreg:$0x1];
	p0 =	sne.s32 s2, $0x0  }
0x55: {  	s3 =	rddreg [dreg:$0x2];
	[bflag:$0x3] =	sbarrier.arrive $0xFFFF;
	s2 =	simm.s32 @!p0 $0x1C02  }
0x56: {  	[timem:s3], [sflag:s2] =	dma.local @!p0 [hbm:s0], s1  }
0x57: {  	s0 =	simm.s32 @!p0 $0x2  }
0x58: {  	_ =	swait.ge @!p0 [sflag:s0], s1  }
0x59: {  	s1 =	ssub.s32 @!p0 $0x0, s1;
	[sflag:s0] =	ssyncset.done @!p0 $0x0  }
0x5a: {  	[sflag:s0] =	ssyncadd.s32 @!p0 s1  }
0x5b: {  	[bflag:$0x3] =	sbarrier.arrive $0xFFFF  }
0x5c: {  	_ =	shalt  }

</sc_bundles>
